<compile_context>
chip_gen: v7x
topology: tpu7x:2x2x1
jax: 0.10.2.dev20260603
libtpu: 0.0.44.dev20260713+nightly
codegen_flags: <defaults>
</compile_context>

<pallas_src>
import functools

import jax
import jax.numpy as jnp
from jax import lax
from jax.experimental import pallas as pl
from jax.experimental.pallas import tpu as pltpu
from jax.experimental.pallas import tpu_sc as plsc

_N, _E, _C, _H, _D = 10000, 320000, 128, 8, 16
_TW = 144
_NC, _NS = 2, 16
_NW = _NC * _NS
_B = 128
_NB = _E // _B
_BN = 2000
_BE = 2000

@functools.cache
def _sc_mesh():
    return plsc.VectorSubcoreMesh(
        core_axis_name="c", subcore_axis_name="s",
        num_cores=_NC, num_subcores=_NS)


def _ln_in(t, g, b):
    m = jnp.mean(t, axis=-1, keepdims=True)
    v = jnp.mean((t - m) ** 2, axis=-1, keepdims=True)
    return (t - m) * lax.rsqrt(v + 1e-5) * g + b


def _headsel(out_cols):
    c = lax.broadcasted_iota(jnp.int32, (_C, out_cols), 0)
    h = lax.broadcasted_iota(jnp.int32, (_C, out_cols), 1)
    return jnp.where(c // _D == h, 1.0, 0.0).astype(jnp.float32)


def _tc_pre_body(x_ref, pos_ref, wq, bq, wk, bk, wv, bv, p1,
                 tq_ref, tk_ref, tv_ref, tp_ref):
    xb = x_ref[...]
    tq_ref[...] = xb @ wq[...] + bq[...]
    tk_ref[...] = xb @ wk[...] + bk[...]
    tv_ref[...] = xb @ wv[...] + bv[...]
    tp_ref[...] = pos_ref[...] @ p1[...]


def _tc_pre(x, pos, wq, bq, wk, bk, wv, bv, p1):
    nb = _N // _BN
    return pl.pallas_call(
        _tc_pre_body,
        grid=(nb,),
        in_specs=[
            pl.BlockSpec((_BN, _C), lambda i: (i, 0)),
            pl.BlockSpec((_BN, 3), lambda i: (i, 0)),
            pl.BlockSpec((_C, _C), lambda i: (0, 0)),
            pl.BlockSpec((_C,), lambda i: (0,)),
            pl.BlockSpec((_C, _C), lambda i: (0, 0)),
            pl.BlockSpec((_C,), lambda i: (0,)),
            pl.BlockSpec((_C, _C), lambda i: (0, 0)),
            pl.BlockSpec((_C,), lambda i: (0,)),
            pl.BlockSpec((3, _C), lambda i: (0, 0)),
        ],
        out_specs=[
            pl.BlockSpec((_BN, _C), lambda i: (i, 0)),
            pl.BlockSpec((_BN, _C), lambda i: (i, 0)),
            pl.BlockSpec((_BN, _C), lambda i: (i, 0)),
            pl.BlockSpec((_BN, _C), lambda i: (i, 0)),
        ],
        out_shape=[
            jax.ShapeDtypeStruct((_N, _C), jnp.float32),
            jax.ShapeDtypeStruct((_N, _C), jnp.float32),
            jax.ShapeDtypeStruct((_N, _C), jnp.float32),
            jax.ShapeDtypeStruct((_N, _C), jnp.float32),
        ],
    )(x, pos, wq, bq, wk, bk, wv, bv, p1)


_EPW = _E // _NW
_NBK = (_EPW + _B - 1) // _B
_NBK2 = 2 * ((_NBK + 1) // 2)
_LASTOFF = _EPW - _B


@functools.cache
def _sc_gather_kernel():
    return functools.partial(
        pl.kernel,
        out_type=tuple(jax.ShapeDtypeStruct((_E, _C), jnp.float32)
                       for _ in range(4)),
        mesh=_sc_mesh(),
        compiler_params=pltpu.CompilerParams(use_tc_tiling_on_sc=False),
        scratch_types=[
            pltpu.VMEM((_EPW,), jnp.int32),
            pltpu.VMEM((_EPW,), jnp.int32),
            pltpu.VMEM((1, _B), jnp.int32),
            pltpu.VMEM((1, _B), jnp.int32),
            pltpu.VMEM((_B, _C), jnp.float32),
            pltpu.VMEM((_B, _C), jnp.float32),
            pltpu.VMEM((_B, _C), jnp.float32),
            pltpu.VMEM((_B, _C), jnp.float32),
            [pltpu.SemaphoreType.DMA] * 4,
        ],
    )(_sc_gather_body)


def _sc_gather_body(tq, tk, tp, ei, qe, ke, pdd, pds, dsti, srci, dix, six,
                    qb, kb, db, sb, sems):
    wid = lax.axis_index("s") * _NC + lax.axis_index("c")
    base = wid * _EPW
    pltpu.sync_copy(ei.at[0, pl.ds(base, _EPW)], srci)
    pltpu.sync_copy(ei.at[1, pl.ds(base, _EPW)], dsti)

    def body(j, carry):
        off = jnp.minimum(j * _B, _LASTOFF)
        for t in range(_B // _D):
            dix[0, pl.ds(_D * t, _D)] = dsti[pl.ds(off + _D * t, _D)]
            six[0, pl.ds(_D * t, _D)] = srci[pl.ds(off + _D * t, _D)]
        cs = [pltpu.async_copy(tq.at[dix.at[0]], qb, sems[0]),
              pltpu.async_copy(tk.at[six.at[0]], kb, sems[1]),
              pltpu.async_copy(tp.at[dix.at[0]], db, sems[2]),
              pltpu.async_copy(tp.at[six.at[0]], sb, sems[3])]
        for c in cs:
            c.wait()
        ws = [pltpu.async_copy(qb, qe.at[pl.ds(base + off, _B)], sems[0]),
              pltpu.async_copy(kb, ke.at[pl.ds(base + off, _B)], sems[1]),
              pltpu.async_copy(db, pdd.at[pl.ds(base + off, _B)], sems[2]),
              pltpu.async_copy(sb, pds.at[pl.ds(base + off, _B)], sems[3])]
        for w in ws:
            w.wait()
        return carry

    lax.fori_loop(0, _NBK2, body, 0)


def _headsel128():
    c = lax.broadcasted_iota(jnp.int32, (_C, _C), 0)
    cc = lax.broadcasted_iota(jnp.int32, (_C, _C), 1)
    return jnp.where(c // _D == cc // _D, 1.0, 0.0).astype(jnp.float32)


def _tc_mid_body(qe_ref, ke_ref, pdd_ref, pds_ref, pb1, p2, pb2, gp, bp,
                 wbc_ref):
    h1 = jnp.maximum(pdd_ref[...] - pds_ref[...] + pb1[...], 0.0)
    pe = _ln_in(h1 @ p2[...] + pb2[...], gp[...], bp[...])
    p = qe_ref[...] * (ke_ref[...] + pe) * 0.25
    wbc_ref[...] = jnp.exp(p @ _headsel128())


def _tc_mid(qe, ke, pdd, pds, pb1, p2, pb2, gp, bp):
    nb = _E // _BE
    return pl.pallas_call(
        _tc_mid_body,
        grid=(nb,),
        in_specs=[
            pl.BlockSpec((_BE, _C), lambda i: (i, 0)),
            pl.BlockSpec((_BE, _C), lambda i: (i, 0)),
            pl.BlockSpec((_BE, _C), lambda i: (i, 0)),
            pl.BlockSpec((_BE, _C), lambda i: (i, 0)),
            pl.BlockSpec((_C,), lambda i: (0,)),
            pl.BlockSpec((_C, _C), lambda i: (0, 0)),
            pl.BlockSpec((_C,), lambda i: (0,)),
            pl.BlockSpec((_C,), lambda i: (0,)),
            pl.BlockSpec((_C,), lambda i: (0,)),
        ],
        out_specs=pl.BlockSpec((_BE, _C), lambda i: (i, 0)),
        out_shape=jax.ShapeDtypeStruct((_E, _C), jnp.float32),
    )(qe, ke, pdd, pds, pb1, p2, pb2, gp, bp)


_SB = 96
_SNBK = (_EPW + _SB - 1) // _SB
_SLAST = _EPW - _SB
_STAIL = (_SNBK - 1) * _SB - _SLAST
_SST = 10 * _SB
_SNST = (_SNBK + 9) // 10
_SSTLAST = _EPW - _SST


@functools.cache
def _sc_scatter_kernel():
    return functools.partial(
        pl.kernel,
        out_type=jax.ShapeDtypeStruct((_NC, _N, _TW), jnp.float32),
        mesh=_sc_mesh(),
        compiler_params=pltpu.CompilerParams(use_tc_tiling_on_sc=False),
        scratch_types=[
            pltpu.VMEM((_SST,), jnp.int32),
            pltpu.VMEM((_SST,), jnp.int32),
            pltpu.VMEM((1, _SB), jnp.int32),
            pltpu.VMEM((1, _SB), jnp.int32),
            pltpu.VMEM((_SB, _C), jnp.float32),
            pltpu.VMEM((_SB * _C,), jnp.float32),
            pltpu.VMEM((_SB, _TW), jnp.float32),
            pltpu.VMEM_SHARED((_N, _TW), jnp.float32),
            pltpu.SemaphoreType.DMA,
            pltpu.SemaphoreType.DMA,
        ],
    )(_sc_scatter_body)


def _sc_scatter_body(tv, ei, wbc, zrows, out, srci, dsti, six, dstb, vb, wb,
                     ub, acc, sem, sw):
    cid = lax.axis_index("c")
    sid = lax.axis_index("s")
    wid = sid * _NC + cid
    base = wid * _EPW
    rows = _N // _NS

    pltpu.sync_copy(zrows.at[pl.ds(sid * rows, rows)],
                    acc.at[pl.ds(sid * rows, rows)])
    plsc.subcore_barrier()

    def stage(si, carry):
        soff = jnp.minimum(si * _SST, _SSTLAST)
        pltpu.sync_copy(ei.at[0, pl.ds(base + soff, _SST)], srci)
        pltpu.sync_copy(ei.at[1, pl.ds(base + soff, _SST)], dsti)

        def block(t, c2):
            j = 10 * si + t

            @pl.when(j < _SNBK)
            def _():
                off = jnp.minimum(j * _SB, _SLAST)
                ro = off - soff
                for u in range(_SB // _D):
                    six[0, pl.ds(_D * u, _D)] = srci[pl.ds(ro + _D * u, _D)]
                    dstb[0, pl.ds(_D * u, _D)] = dsti[pl.ds(ro + _D * u, _D)]
                g1 = pltpu.async_copy(tv.at[six.at[0]], vb, sem)
                g2 = pltpu.async_copy(
                    wbc.at[pl.ds((base + off) * _C, _SB * _C)], wb, sw)
                g1.wait()
                g2.wait()
                kf = jnp.where(j < _SNBK - 1, 0, _STAIL)

                def erow(e, c3):
                    zc = jnp.zeros((_D,), jnp.float32)
                    lane = lax.iota(jnp.int32, _D)
                    den = zc
                    for h in range(_H):
                        wch = jnp.where(e >= kf,
                                        wb[pl.ds(e * _C + _D * h, _D)], zc)
                        ub[e, pl.ds(_D * h, _D)] = vb[e, pl.ds(_D * h, _D)] * wch
                        den = den + jnp.where(lane == h, wch, zc)
                    ub[e, pl.ds(_C, 16)] = den
                    return c3

                lax.fori_loop(0, _SB, erow, 0)
                pltpu.sync_copy(ub, acc.at[dstb.at[0]], add=True)

            return c2

        lax.fori_loop(0, 10, block, 0)
        return carry

    lax.fori_loop(0, _SNST, stage, 0)
    plsc.subcore_barrier()
    pltpu.sync_copy(acc.at[pl.ds(sid * rows, rows)],
                    out.at[cid, pl.ds(sid * rows, rows)])


def _tc_post_body(parts_ref, x_ref, wo, bo, g1, b1, wf1, bf1, wf2, bf2, g2, b2,
                  out_ref):
    acc = parts_ref[0] + parts_ref[1]
    den = acc[:, _C:_C + _H]
    denb = den @ _headsel(_H).T
    aggr = acc[:, 0:_C] / (denb + 1e-16)
    mo = aggr @ wo[...] + bo[...]
    x1 = _ln_in(mo + x_ref[...], g1[...], b1[...])
    f = jnp.maximum(x1 @ wf1[...] + bf1[...], 0.0) @ wf2[...] + bf2[...]
    out_ref[...] = _ln_in(f + x1, g2[...], b2[...])


def _tc_post(parts, x, wo, bo, g1, b1, wf1, bf1, wf2, bf2, g2, b2):
    nb = _N // _BN
    return pl.pallas_call(
        _tc_post_body,
        grid=(nb,),
        in_specs=[
            pl.BlockSpec((2, _BN, _TW), lambda i: (0, i, 0)),
            pl.BlockSpec((_BN, _C), lambda i: (i, 0)),
            pl.BlockSpec((_C, _C), lambda i: (0, 0)),
            pl.BlockSpec((_C,), lambda i: (0,)),
            pl.BlockSpec((_C,), lambda i: (0,)),
            pl.BlockSpec((_C,), lambda i: (0,)),
            pl.BlockSpec((_C, 4 * _C), lambda i: (0, 0)),
            pl.BlockSpec((4 * _C,), lambda i: (0,)),
            pl.BlockSpec((4 * _C, _C), lambda i: (0, 0)),
            pl.BlockSpec((_C,), lambda i: (0,)),
            pl.BlockSpec((_C,), lambda i: (0,)),
            pl.BlockSpec((_C,), lambda i: (0,)),
        ],
        out_specs=pl.BlockSpec((_BN, _C), lambda i: (i, 0)),
        out_shape=jax.ShapeDtypeStruct((_N, _C), jnp.float32),
    )(parts, x, wo, bo, g1, b1, wf1, bf1, wf2, bf2, g2, b2)


def kernel(x, pos, edge_index, Wq, bq, Wk, bk, Wv, bv, P1, pb1, P2, pb2,
           gpos, bpos, Wo, bo, g1, bn1, Wf1, bf1, Wf2, bf2, g2, bn2):
    tq, tk, tv, tp = _tc_pre(x, pos, Wq, bq, Wk, bk, Wv, bv, P1)
    qe, ke, pdd, pds = _sc_gather_kernel()(tq, tk, tp, edge_index)
    wbc = _tc_mid(qe, ke, pdd, pds, pb1, P2, pb2, gpos, bpos)
    zrows = jnp.zeros((_N, _TW), jnp.float32)
    parts = _sc_scatter_kernel()(tv, edge_index, wbc.reshape(-1), zrows)
    return _tc_post(parts, x, Wo, bo, g1, bn1, Wf1, bf1, Wf2, bf2, g2, bn2)

# --- scband reference (transcript-rebuilt; emitter-appended) ---
"""Pipeline reference for scband-asgformer-68564857913542 (READ-ONLY COPY).

The authoritative reference and input builder live on the scoring server;
editing this copy changes nothing except your own understanding.
"""

import jax, jax.numpy as jnp
import numpy as np

N = 10000
E = 320000
C = 128
H = 8
D = C // H

def _ln(t, g, b, eps=1e-5):
    m = jnp.mean(t, axis=-1, keepdims=True)
    v = jnp.mean((t - m) ** 2, axis=-1, keepdims=True)
    return (t - m) / jnp.sqrt(v + eps) * g + b

def _seg_softmax(scores, index, num_segments):
    mx = jax.ops.segment_max(scores, index, num_segments=num_segments)
    mx = jnp.where(jnp.isfinite(mx), mx, 0.0)
    e = jnp.exp(scores - mx[index])
    den = jax.ops.segment_sum(e, index, num_segments=num_segments)
    return e / (den[index] + 1e-16)

def setup_inputs(seed: int = 0):
    key = jax.random.key(seed)
    ks = jax.random.split(key, 30)
    def w(i, shape, s=0.05):
        return jax.random.normal(ks[i], shape, dtype=jnp.float32) * s
    inp = {}
    inp["x"] = jax.random.normal(ks[0], (N, C), dtype=jnp.float32)
    inp["pos"] = jax.random.normal(ks[1], (N, 3), dtype=jnp.float32)
    inp["edge_index"] = jax.random.randint(ks[2], (2, E), 0, N, dtype=jnp.int32)
    inp["Wq"] = w(3, (C, C)); inp["bq"] = w(4, (C,))
    inp["Wk"] = w(5, (C, C)); inp["bk"] = w(6, (C,))
    inp["Wv"] = w(7, (C, C)); inp["bv"] = w(8, (C,))
    inp["P1"] = w(9, (3, C)); inp["pb1"] = w(10, (C,))
    inp["P2"] = w(11, (C, C)); inp["pb2"] = w(12, (C,))
    inp["gpos"] = jnp.ones((C,), jnp.float32); inp["bpos"] = jnp.zeros((C,), jnp.float32)
    inp["Wo"] = w(13, (C, C)); inp["bo"] = w(14, (C,))
    inp["g1"] = jnp.ones((C,), jnp.float32); inp["bn1"] = jnp.zeros((C,), jnp.float32)
    inp["Wf1"] = w(15, (C, 4 * C)); inp["bf1"] = w(16, (4 * C,))
    inp["Wf2"] = w(17, (4 * C, C)); inp["bf2"] = w(18, (C,))
    inp["g2"] = jnp.ones((C,), jnp.float32); inp["bn2"] = jnp.zeros((C,), jnp.float32)
    return inp

def reference(x, pos, edge_index, Wq, bq, Wk, bk, Wv, bv, P1, pb1, P2, pb2, gpos, bpos, Wo, bo, g1, bn1, Wf1, bf1, Wf2, bf2, g2, bn2):
    # flow='source_to_target': edge_index[0]=src (j), edge_index[1]=dst (i)
    src = edge_index[0]
    dst = edge_index[1]
    xi = x[dst]
    xj = x[src]
    q = xi @ Wq + bq
    k = xj @ Wk + bk
    v = xj @ Wv + bv
    pe = jax.nn.relu((pos[dst] - pos[src]) @ P1 + pb1) @ P2 + pb2
    pe = _ln(pe, gpos, bpos)
    k = k + pe
    qh = q.reshape(-1, H, D)
    kh = k.reshape(-1, H, D)
    vh = v.reshape(-1, H, D)
    score = (qh * kh).sum(-1) / np.float32(np.sqrt(D))
    attn = _seg_softmax(score, dst, N)
    msg = (attn[..., None] * vh).reshape(-1, C)
    aggr = jax.ops.segment_sum(msg, dst, num_segments=N)
    mo = aggr @ Wo + bo  # to_out (dropout is identity in eval)
    x1 = _ln(mo + x, g1, bn1)  # residual is Identity since in==out
    f = jax.nn.relu(x1 @ Wf1 + bf1) @ Wf2 + bf2
    return _ln(f + x1, g2, bn2)

if __name__ == "__main__":
    import jax
    _d = setup_inputs()
    print(jax.jit(kernel)(*tuple(_d.values())))

</pallas_src>

<mosaic_0001>
#map = affine_map<(d0, d1) -> (0, 0)>
#map1 = affine_map<(d0, d1) -> (0)>
#map2 = affine_map<(d0, d1) -> (0, 0, 0)>
module attributes {stable_mosaic.version = 14 : i64} {
  func.func @_sc_scatter_body(%arg0: i32, %arg1: i32, %arg2: memref<10000x128xf32, #tpu.memory_space<hbm>>, %arg3: memref<2x320000xi32, #tpu.memory_space<hbm>>, %arg4: memref<40960000xf32, #tpu.memory_space<hbm>>, %arg5: memref<10000x144xf32, #tpu.memory_space<hbm>>, %arg6: memref<2x10000x144xf32, #tpu.memory_space<hbm>>, %arg7: memref<960xi32, #tpu.memory_space<vmem>>, %arg8: memref<960xi32, #tpu.memory_space<vmem>>, %arg9: memref<1x96xi32, #tpu.memory_space<vmem>>, %arg10: memref<1x96xi32, #tpu.memory_space<vmem>>, %arg11: memref<96x128xf32, #tpu.memory_space<vmem>>, %arg12: memref<12288xf32, #tpu.memory_space<vmem>>, %arg13: memref<96x144xf32, #tpu.memory_space<vmem>>, %arg14: memref<10000x144xf32, #tpu.memory_space<vmem_shared>>, %arg15: memref<!tpu.dma_semaphore, #tpu.memory_space<semaphore_mem>>, %arg16: memref<!tpu.dma_semaphore, #tpu.memory_space<semaphore_mem>>) attributes {dimension_semantics = [#tpu.dimension_semantics<core_parallel>, #tpu.dimension_semantics<subcore_parallel>], iteration_bounds = array<i64: 2, 16>, scalar_prefetch = 0 : i64, scratch_operands = 10 : i64, tpu.core_type = #tpu.core_type<sc_vector_subcore>, window_params = [{transform_indices = #map}, {transform_indices = #map}, {transform_indices = #map1}, {transform_indices = #map}, {transform_indices = #map2}]} {
    %mul3A = arith.constant 2 : i32
    %mul3A_0 = arith.muli %arg1, %mul3A : i32
    %add3A = arith.addi %mul3A_0, %arg0 : i32
    %mul3A_1 = arith.constant 10000 : i32
    %mul3A_2 = arith.muli %add3A, %mul3A_1 : i32
    %mul3A_3 = arith.constant 625 : i32
    %mul3A_4 = arith.muli %arg1, %mul3A_3 : i32
    %mul3A_5 = arith.constant 625 : i32
    %mul3A_6 = arith.muli %arg1, %mul3A_5 : i32
    "tpu.region"() ({
      %run_scoped3A = tpu.sem_alloc : memref<!tpu.dma_semaphore, #tpu.memory_space<semaphore_mem>>
      %dma_start3A = arith.constant 0 : i32
      %dma_start3A_17 = tpu.memref_slice %arg14[%mul3A_6, %dma_start3A] : memref<10000x144xf32, #tpu.memory_space<vmem_shared>> -> memref<625x144xf32, #tpu.memory_space<vmem_shared>>
      %dma_start3A_18 = arith.constant 0 : i32
      %dma_start3A_19 = tpu.memref_slice %arg5[%mul3A_4, %dma_start3A_18] : memref<10000x144xf32, #tpu.memory_space<hbm>> -> memref<625x144xf32, #tpu.memory_space<hbm>>
      tpu.enqueue_dma source(%dma_start3A_19 : memref<625x144xf32, #tpu.memory_space<hbm>>) target(%dma_start3A_17 : memref<625x144xf32, #tpu.memory_space<vmem_shared>>) target_semaphore(%run_scoped3A : memref<!tpu.dma_semaphore, #tpu.memory_space<semaphore_mem>>)
      %dma_wait3A = arith.constant 0 : i32
      %dma_wait3A_20 = tpu.memref_slice %arg14[%mul3A_6, %dma_wait3A] : memref<10000x144xf32, #tpu.memory_space<vmem_shared>> -> memref<625x144xf32, #tpu.memory_space<vmem_shared>>
      %dma_wait3A_21 = arith.constant 0 : i32
      %dma_wait3A_22 = tpu.memref_slice %arg5[%mul3A_4, %dma_wait3A_21] : memref<10000x144xf32, #tpu.memory_space<hbm>> -> memref<625x144xf32, #tpu.memory_space<hbm>>
      tpu.wait_dma2 semaphore(%run_scoped3A : memref<!tpu.dma_semaphore, #tpu.memory_space<semaphore_mem>>) src(%dma_wait3A_22 : memref<625x144xf32, #tpu.memory_space<hbm>>) dst(%dma_wait3A_20 : memref<625x144xf32, #tpu.memory_space<vmem_shared>>)
      tpu.yield
    }) : () -> ()
    %barrier3A = arith.constant 0 : index
    tpu.barrier barrier_id(%barrier3A)
    %scan3A = arith.constant 0 : i32
    %scan3A_7 = arith.constant 0 : i32
    %scan3A_8 = arith.constant 11 : i32
    %scan3A_9 = arith.addi %scan3A_7, %scan3A_8 : i32
    %scan3A_10 = arith.constant 1 : i32
    scf.for %scan3A_17 = %scan3A_7 to %scan3A_9 step %scan3A_10  : i32 {
      %mul3A_18 = arith.constant 960 : i32
      %mul3A_19 = arith.muli %scan3A_17, %mul3A_18 : i32
      %min3A = arith.constant 9040 : i32
      %min3A_20 = arith.minsi %mul3A_19, %min3A : i32
      %add3A_21 = arith.addi %mul3A_2, %min3A_20 : i32
      %run_scoped3A = arith.constant 0 : i32
      "tpu.region"() ({
        %run_scoped3A_30 = tpu.sem_alloc : memref<!tpu.dma_semaphore, #tpu.memory_space<semaphore_mem>>
        %dma_start3A = tpu.memref_slice %arg3[%run_scoped3A, %add3A_21] : memref<2x320000xi32, #tpu.memory_space<hbm>> -> memref<1x960xi32, #tpu.memory_space<hbm>>
        %dma_start3A_31 = tpu.memref_squeeze %dma_start3A : memref<1x960xi32, #tpu.memory_space<hbm>> -> memref<960xi32, #tpu.memory_space<hbm>>
        %dma_start3A_32 = tpu.memref_slice %arg3[%run_scoped3A, %add3A_21] : memref<2x320000xi32, #tpu.memory_space<hbm>> -> memref<1x960xi32, #tpu.memory_space<hbm>>
        %dma_start3A_33 = tpu.memref_squeeze %dma_start3A_32 : memref<1x960xi32, #tpu.memory_space<hbm>> -> memref<960xi32, #tpu.memory_space<hbm>>
        tpu.enqueue_dma source(%dma_start3A_33 : memref<960xi32, #tpu.memory_space<hbm>>) target(%arg7 : memref<960xi32, #tpu.memory_space<vmem>>) target_semaphore(%run_scoped3A_30 : memref<!tpu.dma_semaphore, #tpu.memory_space<semaphore_mem>>)
        %dma_wait3A = tpu.memref_slice %arg3[%run_scoped3A, %add3A_21] : memref<2x320000xi32, #tpu.memory_space<hbm>> -> memref<1x960xi32, #tpu.memory_space<hbm>>
        %dma_wait3A_34 = tpu.memref_squeeze %dma_wait3A : memref<1x960xi32, #tpu.memory_space<hbm>> -> memref<960xi32, #tpu.memory_space<hbm>>
        %dma_wait3A_35 = tpu.memref_slice %arg3[%run_scoped3A, %add3A_21] : memref<2x320000xi32, #tpu.memory_space<hbm>> -> memref<1x960xi32, #tpu.memory_space<hbm>>
        %dma_wait3A_36 = tpu.memref_squeeze %dma_wait3A_35 : memref<1x960xi32, #tpu.memory_space<hbm>> -> memref<960xi32, #tpu.memory_space<hbm>>
        tpu.wait_dma2 semaphore(%run_scoped3A_30 : memref<!tpu.dma_semaphore, #tpu.memory_space<semaphore_mem>>) src(%dma_wait3A_36 : memref<960xi32, #tpu.memory_space<hbm>>) dst(%arg7 : memref<960xi32, #tpu.memory_space<vmem>>)
        tpu.yield
      }) : () -> ()
      %add3A_22 = arith.addi %mul3A_2, %min3A_20 : i32
      %run_scoped3A_23 = arith.constant 1 : i32
      "tpu.region"() ({
        %run_scoped3A_30 = tpu.sem_alloc : memref<!tpu.dma_semaphore, #tpu.memory_space<semaphore_mem>>
        %dma_start3A = tpu.memref_slice %arg3[%run_scoped3A_23, %add3A_22] : memref<2x320000xi32, #tpu.memory_space<hbm>> -> memref<1x960xi32, #tpu.memory_space<hbm>>
        %dma_start3A_31 = tpu.memref_squeeze %dma_start3A : memref<1x960xi32, #tpu.memory_space<hbm>> -> memref<960xi32, #tpu.memory_space<hbm>>
        %dma_start3A_32 = tpu.memref_slice %arg3[%run_scoped3A_23, %add3A_22] : memref<2x320000xi32, #tpu.memory_space<hbm>> -> memref<1x960xi32, #tpu.memory_space<hbm>>
        %dma_start3A_33 = tpu.memref_squeeze %dma_start3A_32 : memref<1x960xi32, #tpu.memory_space<hbm>> -> memref<960xi32, #tpu.memory_space<hbm>>
        tpu.enqueue_dma source(%dma_start3A_33 : memref<960xi32, #tpu.memory_space<hbm>>) target(%arg8 : memref<960xi32, #tpu.memory_space<vmem>>) target_semaphore(%run_scoped3A_30 : memref<!tpu.dma_semaphore, #tpu.memory_space<semaphore_mem>>)
        %dma_wait3A = tpu.memref_slice %arg3[%run_scoped3A_23, %add3A_22] : memref<2x320000xi32, #tpu.memory_space<hbm>> -> memref<1x960xi32, #tpu.memory_space<hbm>>
        %dma_wait3A_34 = tpu.memref_squeeze %dma_wait3A : memref<1x960xi32, #tpu.memory_space<hbm>> -> memref<960xi32, #tpu.memory_space<hbm>>
        %dma_wait3A_35 = tpu.memref_slice %arg3[%run_scoped3A_23, %add3A_22] : memref<2x320000xi32, #tpu.memory_space<hbm>> -> memref<1x960xi32, #tpu.memory_space<hbm>>
        %dma_wait3A_36 = tpu.memref_squeeze %dma_wait3A_35 : memref<1x960xi32, #tpu.memory_space<hbm>> -> memref<960xi32, #tpu.memory_space<hbm>>
        tpu.wait_dma2 semaphore(%run_scoped3A_30 : memref<!tpu.dma_semaphore, #tpu.memory_space<semaphore_mem>>) src(%dma_wait3A_36 : memref<960xi32, #tpu.memory_space<hbm>>) dst(%arg8 : memref<960xi32, #tpu.memory_space<vmem>>)
        tpu.yield
      }) : () -> ()
      %scan3A_24 = arith.constant 0 : i32
      %scan3A_25 = arith.constant 0 : i32
      %scan3A_26 = arith.constant 10 : i32
      %scan3A_27 = arith.addi %scan3A_25, %scan3A_26 : i32
      %scan3A_28 = arith.constant 1 : i32
      scf.for %scan3A_30 = %scan3A_25 to %scan3A_27 step %scan3A_28  : i32 {
        %mul3A_31 = arith.constant 10 : i32
        %mul3A_32 = arith.muli %mul3A_31, %scan3A_17 : i32
        %add3A_33 = arith.addi %mul3A_32, %scan3A_30 : i32
        %lt3A = arith.constant 105 : i32
        %lt3A_34 = arith.cmpi slt, %add3A_33, %lt3A : i32
        %convert_element_type3A = arith.extui %lt3A_34 : i1 to i32
        %cond3A = arith.constant 0 : i32
        %cond3A_35 = arith.cmpi ne, %convert_element_type3A, %cond3A : i32
        scf.if %cond3A_35 {
          %mul3A_36 = arith.constant 96 : i32
          %mul3A_37 = arith.muli %add3A_33, %mul3A_36 : i32
          %min3A_38 = arith.constant 9904 : i32
          %min3A_39 = arith.minsi %mul3A_37, %min3A_38 : i32
          %sub3A = arith.subi %min3A_39, %min3A_20 : i32
          %add3A_40 = arith.constant 0 : i32
          %add3A_41 = arith.addi %sub3A, %add3A_40 : i32
          %get3A = arith.index_cast %add3A_41 : i32 to index
          %get3A_42 = tpu.vector_load %arg7[%get3A] {strides = array<i32>} : memref<960xi32, #tpu.memory_space<vmem>>, vector<16xi32>,
          %get3A_43 = vector.shape_cast %get3A_42 : vector<16xi32> to vector<16xi32>
          %swap3A = arith.constant 0 : i32
          %swap3A_44 = arith.index_cast %swap3A : i32 to index
          %swap3A_45 = arith.constant 0 : index
          %swap3A_46 = tpu.vector_load %arg9[%swap3A_44, %swap3A_45] {strides = array<i32>} : memref<1x96xi32, #tpu.memory_space<vmem>>, vector<1x16xi32>,
          %swap3A_47 = vector.shape_cast %swap3A_46 : vector<1x16xi32> to vector<16xi32>
          %swap3A_48 = vector.shape_cast %get3A_43 : vector<16xi32> to vector<1x16xi32>
          tpu.vector_store %arg9[%swap3A_44, %swap3A_45], %swap3A_48 {strides = array<i32>} : memref<1x96xi32, #tpu.memory_space<vmem>>, vector<1x16xi32>,
          %add3A_49 = arith.constant 0 : i32
          %add3A_50 = arith.addi %sub3A, %add3A_49 : i32
          %get3A_51 = arith.index_cast %add3A_50 : i32 to index
          %get3A_52 = tpu.vector_load %arg8[%get3A_51] {strides = array<i32>} : memref<960xi32, #tpu.memory_space<vmem>>, vector<16xi32>,
          %get3A_53 = vector.shape_cast %get3A_52 : vector<16xi32> to vector<16xi32>
          %swap3A_54 = arith.constant 0 : i32
          %swap3A_55 = arith.index_cast %swap3A_54 : i32 to index
          %swap3A_56 = arith.constant 0 : index
          %swap3A_57 = tpu.vector_load %arg10[%swap3A_55, %swap3A_56] {strides = array<i32>} : memref<1x96xi32, #tpu.memory_space<vmem>>, vector<1x16xi32>,
          %swap3A_58 = vector.shape_cast %swap3A_57 : vector<1x16xi32> to vector<16xi32>
          %swap3A_59 = vector.shape_cast %get3A_53 : vector<16xi32> to vector<1x16xi32>
          tpu.vector_store %arg10[%swap3A_55, %swap3A_56], %swap3A_59 {strides = array<i32>} : memref<1x96xi32, #tpu.memory_space<vmem>>, vector<1x16xi32>,
          %add3A_60 = arith.constant 16 : i32
          %add3A_61 = arith.addi %sub3A, %add3A_60 : i32
          %get3A_62 = arith.index_cast %add3A_61 : i32 to index
          %get3A_63 = tpu.vector_load %arg7[%get3A_62] {strides = array<i32>} : memref<960xi32, #tpu.memory_space<vmem>>, vector<16xi32>,
          %get3A_64 = vector.shape_cast %get3A_63 : vector<16xi32> to vector<16xi32>
          %swap3A_65 = arith.constant 0 : i32
          %swap3A_66 = arith.index_cast %swap3A_65 : i32 to index
          %swap3A_67 = arith.constant 16 : index
          %swap3A_68 = tpu.vector_load %arg9[%swap3A_66, %swap3A_67] {strides = array<i32>} : memref<1x96xi32, #tpu.memory_space<vmem>>, vector<1x16xi32>,
          %swap3A_69 = vector.shape_cast %swap3A_68 : vector<1x16xi32> to vector<16xi32>
          %swap3A_70 = vector.shape_cast %get3A_64 : vector<16xi32> to vector<1x16xi32>
          tpu.vector_store %arg9[%swap3A_66, %swap3A_67], %swap3A_70 {strides = array<i32>} : memref<1x96xi32, #tpu.memory_space<vmem>>, vector<1x16xi32>,
          %add3A_71 = arith.constant 16 : i32
          %add3A_72 = arith.addi %sub3A, %add3A_71 : i32
          %get3A_73 = arith.index_cast %add3A_72 : i32 to index
          %get3A_74 = tpu.vector_load %arg8[%get3A_73] {strides = array<i32>} : memref<960xi32, #tpu.memory_space<vmem>>, vector<16xi32>,
          %get3A_75 = vector.shape_cast %get3A_74 : vector<16xi32> to vector<16xi32>
          %swap3A_76 = arith.constant 0 : i32
          %swap3A_77 = arith.index_cast %swap3A_76 : i32 to index
          %swap3A_78 = arith.constant 16 : index
          %swap3A_79 = tpu.vector_load %arg10[%swap3A_77, %swap3A_78] {strides = array<i32>} : memref<1x96xi32, #tpu.memory_space<vmem>>, vector<1x16xi32>,
          %swap3A_80 = vector.shape_cast %swap3A_79 : vector<1x16xi32> to vector<16xi32>
          %swap3A_81 = vector.shape_cast %get3A_75 : vector<16xi32> to vector<1x16xi32>
          tpu.vector_store %arg10[%swap3A_77, %swap3A_78], %swap3A_81 {strides = array<i32>} : memref<1x96xi32, #tpu.memory_space<vmem>>, vector<1x16xi32>,
          %add3A_82 = arith.constant 32 : i32
          %add3A_83 = arith.addi %sub3A, %add3A_82 : i32
          %get3A_84 = arith.index_cast %add3A_83 : i32 to index
          %get3A_85 = tpu.vector_load %arg7[%get3A_84] {strides = array<i32>} : memref<960xi32, #tpu.memory_space<vmem>>, vector<16xi32>,
          %get3A_86 = vector.shape_cast %get3A_85 : vector<16xi32> to vector<16xi32>
          %swap3A_87 = arith.constant 0 : i32
          %swap3A_88 = arith.index_cast %swap3A_87 : i32 to index
          %swap3A_89 = arith.constant 32 : index
          %swap3A_90 = tpu.vector_load %arg9[%swap3A_88, %swap3A_89] {strides = array<i32>} : memref<1x96xi32, #tpu.memory_space<vmem>>, vector<1x16xi32>,
          %swap3A_91 = vector.shape_cast %swap3A_90 : vector<1x16xi32> to vector<16xi32>
          %swap3A_92 = vector.shape_cast %get3A_86 : vector<16xi32> to vector<1x16xi32>
          tpu.vector_store %arg9[%swap3A_88, %swap3A_89], %swap3A_92 {strides = array<i32>} : memref<1x96xi32, #tpu.memory_space<vmem>>, vector<1x16xi32>,
          %add3A_93 = arith.constant 32 : i32
          %add3A_94 = arith.addi %sub3A, %add3A_93 : i32
          %get3A_95 = arith.index_cast %add3A_94 : i32 to index
          %get3A_96 = tpu.vector_load %arg8[%get3A_95] {strides = array<i32>} : memref<960xi32, #tpu.memory_space<vmem>>, vector<16xi32>,
          %get3A_97 = vector.shape_cast %get3A_96 : vector<16xi32> to vector<16xi32>
          %swap3A_98 = arith.constant 0 : i32
          %swap3A_99 = arith.index_cast %swap3A_98 : i32 to index
          %swap3A_100 = arith.constant 32 : index
          %swap3A_101 = tpu.vector_load %arg10[%swap3A_99, %swap3A_100] {strides = array<i32>} : memref<1x96xi32, #tpu.memory_space<vmem>>, vector<1x16xi32>,
          %swap3A_102 = vector.shape_cast %swap3A_101 : vector<1x16xi32> to vector<16xi32>
          %swap3A_103 = vector.shape_cast %get3A_97 : vector<16xi32> to vector<1x16xi32>
          tpu.vector_store %arg10[%swap3A_99, %swap3A_100], %swap3A_103 {strides = array<i32>} : memref<1x96xi32, #tpu.memory_space<vmem>>, vector<1x16xi32>,
          %add3A_104 = arith.constant 48 : i32
          %add3A_105 = arith.addi %sub3A, %add3A_104 : i32
          %get3A_106 = arith.index_cast %add3A_105 : i32 to index
          %get3A_107 = tpu.vector_load %arg7[%get3A_106] {strides = array<i32>} : memref<960xi32, #tpu.memory_space<vmem>>, vector<16xi32>,
          %get3A_108 = vector.shape_cast %get3A_107 : vector<16xi32> to vector<16xi32>
          %swap3A_109 = arith.constant 0 : i32
          %swap3A_110 = arith.index_cast %swap3A_109 : i32 to index
          %swap3A_111 = arith.constant 48 : index
          %swap3A_112 = tpu.vector_load %arg9[%swap3A_110, %swap3A_111] {strides = array<i32>} : memref<1x96xi32, #tpu.memory_space<vmem>>, vector<1x16xi32>,
          %swap3A_113 = vector.shape_cast %swap3A_112 : vector<1x16xi32> to vector<16xi32>
          %swap3A_114 = vector.shape_cast %get3A_108 : vector<16xi32> to vector<1x16xi32>
          tpu.vector_store %arg9[%swap3A_110, %swap3A_111], %swap3A_114 {strides = array<i32>} : memref<1x96xi32, #tpu.memory_space<vmem>>, vector<1x16xi32>,
          %add3A_115 = arith.constant 48 : i32
          %add3A_116 = arith.addi %sub3A, %add3A_115 : i32
          %get3A_117 = arith.index_cast %add3A_116 : i32 to index
          %get3A_118 = tpu.vector_load %arg8[%get3A_117] {strides = array<i32>} : memref<960xi32, #tpu.memory_space<vmem>>, vector<16xi32>,
          %get3A_119 = vector.shape_cast %get3A_118 : vector<16xi32> to vector<16xi32>
          %swap3A_120 = arith.constant 0 : i32
          %swap3A_121 = arith.index_cast %swap3A_120 : i32 to index
          %swap3A_122 = arith.constant 48 : index
          %swap3A_123 = tpu.vector_load %arg10[%swap3A_121, %swap3A_122] {strides = array<i32>} : memref<1x96xi32, #tpu.memory_space<vmem>>, vector<1x16xi32>,
          %swap3A_124 = vector.shape_cast %swap3A_123 : vector<1x16xi32> to vector<16xi32>
          %swap3A_125 = vector.shape_cast %get3A_119 : vector<16xi32> to vector<1x16xi32>
          tpu.vector_store %arg10[%swap3A_121, %swap3A_122], %swap3A_125 {strides = array<i32>} : memref<1x96xi32, #tpu.memory_space<vmem>>, vector<1x16xi32>,
          %add3A_126 = arith.constant 64 : i32
          %add3A_127 = arith.addi %sub3A, %add3A_126 : i32
          %get3A_128 = arith.index_cast %add3A_127 : i32 to index
          %get3A_129 = tpu.vector_load %arg7[%get3A_128] {strides = array<i32>} : memref<960xi32, #tpu.memory_space<vmem>>, vector<16xi32>,
          %get3A_130 = vector.shape_cast %get3A_129 : vector<16xi32> to vector<16xi32>
          %swap3A_131 = arith.constant 0 : i32
          %swap3A_132 = arith.index_cast %swap3A_131 : i32 to index
          %swap3A_133 = arith.constant 64 : index
          %swap3A_134 = tpu.vector_load %arg9[%swap3A_132, %swap3A_133] {strides = array<i32>} : memref<1x96xi32, #tpu.memory_space<vmem>>, vector<1x16xi32>,
          %swap3A_135 = vector.shape_cast %swap3A_134 : vector<1x16xi32> to vector<16xi32>
          %swap3A_136 = vector.shape_cast %get3A_130 : vector<16xi32> to vector<1x16xi32>
          tpu.vector_store %arg9[%swap3A_132, %swap3A_133], %swap3A_136 {strides = array<i32>} : memref<1x96xi32, #tpu.memory_space<vmem>>, vector<1x16xi32>,
          %add3A_137 = arith.constant 64 : i32
          %add3A_138 = arith.addi %sub3A, %add3A_137 : i32
          %get3A_139 = arith.index_cast %add3A_138 : i32 to index
          %get3A_140 = tpu.vector_load %arg8[%get3A_139] {strides = array<i32>} : memref<960xi32, #tpu.memory_space<vmem>>, vector<16xi32>,
          %get3A_141 = vector.shape_cast %get3A_140 : vector<16xi32> to vector<16xi32>
          %swap3A_142 = arith.constant 0 : i32
          %swap3A_143 = arith.index_cast %swap3A_142 : i32 to index
          %swap3A_144 = arith.constant 64 : index
          %swap3A_145 = tpu.vector_load %arg10[%swap3A_143, %swap3A_144] {strides = array<i32>} : memref<1x96xi32, #tpu.memory_space<vmem>>, vector<1x16xi32>,
          %swap3A_146 = vector.shape_cast %swap3A_145 : vector<1x16xi32> to vector<16xi32>
          %swap3A_147 = vector.shape_cast %get3A_141 : vector<16xi32> to vector<1x16xi32>
          tpu.vector_store %arg10[%swap3A_143, %swap3A_144], %swap3A_147 {strides = array<i32>} : memref<1x96xi32, #tpu.memory_space<vmem>>, vector<1x16xi32>,
          %add3A_148 = arith.constant 80 : i32
          %add3A_149 = arith.addi %sub3A, %add3A_148 : i32
          %get3A_150 = arith.index_cast %add3A_149 : i32 to index
          %get3A_151 = tpu.vector_load %arg7[%get3A_150] {strides = array<i32>} : memref<960xi32, #tpu.memory_space<vmem>>, vector<16xi32>,
          %get3A_152 = vector.shape_cast %get3A_151 : vector<16xi32> to vector<16xi32>
          %swap3A_153 = arith.constant 0 : i32
          %swap3A_154 = arith.index_cast %swap3A_153 : i32 to index
          %swap3A_155 = arith.constant 80 : index
          %swap3A_156 = tpu.vector_load %arg9[%swap3A_154, %swap3A_155] {strides = array<i32>} : memref<1x96xi32, #tpu.memory_space<vmem>>, vector<1x16xi32>,
          %swap3A_157 = vector.shape_cast %swap3A_156 : vector<1x16xi32> to vector<16xi32>
          %swap3A_158 = vector.shape_cast %get3A_152 : vector<16xi32> to vector<1x16xi32>
          tpu.vector_store %arg9[%swap3A_154, %swap3A_155], %swap3A_158 {strides = array<i32>} : memref<1x96xi32, #tpu.memory_space<vmem>>, vector<1x16xi32>,
          %add3A_159 = arith.constant 80 : i32
          %add3A_160 = arith.addi %sub3A, %add3A_159 : i32
          %get3A_161 = arith.index_cast %add3A_160 : i32 to index
          %get3A_162 = tpu.vector_load %arg8[%get3A_161] {strides = array<i32>} : memref<960xi32, #tpu.memory_space<vmem>>, vector<16xi32>,
          %get3A_163 = vector.shape_cast %get3A_162 : vector<16xi32> to vector<16xi32>
          %swap3A_164 = arith.constant 0 : i32
          %swap3A_165 = arith.index_cast %swap3A_164 : i32 to index
          %swap3A_166 = arith.constant 80 : index
          %swap3A_167 = tpu.vector_load %arg10[%swap3A_165, %swap3A_166] {strides = array<i32>} : memref<1x96xi32, #tpu.memory_space<vmem>>, vector<1x16xi32>,
          %swap3A_168 = vector.shape_cast %swap3A_167 : vector<1x16xi32> to vector<16xi32>
          %swap3A_169 = vector.shape_cast %get3A_163 : vector<16xi32> to vector<1x16xi32>
          tpu.vector_store %arg10[%swap3A_165, %swap3A_166], %swap3A_169 {strides = array<i32>} : memref<1x96xi32, #tpu.memory_space<vmem>>, vector<1x16xi32>,
          %dma_start3A = arith.constant 0 : i32
          %dma_start3A_170 = arith.constant 0 : i32
          %dma_start3A_171 = tpu.memref_slice %arg9[%dma_start3A, %dma_start3A_170] : memref<1x96xi32, #tpu.memory_space<vmem>> -> memref<1x96xi32, #tpu.memory_space<vmem>>
          %dma_start3A_172 = tpu.memref_squeeze %dma_start3A_171 : memref<1x96xi32, #tpu.memory_space<vmem>> -> memref<96xi32, #tpu.memory_space<vmem>>
          %dma_start3A_173 = arith.constant 0 : i32
          %dma_start3A_174 = arith.constant 0 : i32
          %dma_start3A_175 = tpu.memref_slice %arg2[%dma_start3A_173, %dma_start3A_174] : memref<10000x128xf32, #tpu.memory_space<hbm>> -> memref<10000x128xf32, #tpu.memory_space<hbm>>
          tpu.enqueue_indirect_dma source(%dma_start3A_175 : memref<10000x128xf32, #tpu.memory_space<hbm>>) target(%arg11 : memref<96x128xf32, #tpu.memory_space<vmem>>) offsets(%dma_start3A_172 : memref<96xi32, #tpu.memory_space<vmem>>) semaphore(%arg15 : memref<!tpu.dma_semaphore, #tpu.memory_space<semaphore_mem>>)
          %add3A_176 = arith.addi %mul3A_2, %min3A_39 : i32
          %mul3A_177 = arith.constant 128 : i32
          %mul3A_178 = arith.muli %add3A_176, %mul3A_177 : i32
          %dma_start3A_179 = tpu.memref_slice %arg4[%mul3A_178] : memref<40960000xf32, #tpu.memory_space<hbm>> -> memref<12288xf32, #tpu.memory_space<hbm>>
          %dma_start3A_180 = tpu.memref_slice %arg4[%mul3A_178] : memref<40960000xf32, #tpu.memory_space<hbm>> -> memref<12288xf32, #tpu.memory_space<hbm>>
          tpu.enqueue_dma source(%dma_start3A_180 : memref<12288xf32, #tpu.memory_space<hbm>>) target(%arg12 : memref<12288xf32, #tpu.memory_space<vmem>>) target_semaphore(%arg16 : memref<!tpu.dma_semaphore, #tpu.memory_space<semaphore_mem>>)
          %dma_wait3A = arith.constant 0 : i32
          %dma_wait3A_181 = arith.constant 0 : i32
          %dma_wait3A_182 = tpu.memref_slice %arg9[%dma_wait3A, %dma_wait3A_181] : memref<1x96xi32, #tpu.memory_space<vmem>> -> memref<1x96xi32, #tpu.memory_space<vmem>>
          %dma_wait3A_183 = tpu.memref_squeeze %dma_wait3A_182 : memref<1x96xi32, #tpu.memory_space<vmem>> -> memref<96xi32, #tpu.memory_space<vmem>>
          %dma_wait3A_184 = arith.constant 0 : i32
          %dma_wait3A_185 = arith.constant 0 : i32
          %dma_wait3A_186 = tpu.memref_slice %arg2[%dma_wait3A_184, %dma_wait3A_185] : memref<10000x128xf32, #tpu.memory_space<hbm>> -> memref<10000x128xf32, #tpu.memory_space<hbm>>
          tpu.wait_indirect_dma semaphore(%arg15 : memref<!tpu.dma_semaphore, #tpu.memory_space<semaphore_mem>>) src(%dma_wait3A_186 : memref<10000x128xf32, #tpu.memory_space<hbm>>) dst(%arg11 : memref<96x128xf32, #tpu.memory_space<vmem>>)
          %dma_wait3A_187 = tpu.memref_slice %arg4[%mul3A_178] : memref<40960000xf32, #tpu.memory_space<hbm>> -> memref<12288xf32, #tpu.memory_space<hbm>>
          %dma_wait3A_188 = tpu.memref_slice %arg4[%mul3A_178] : memref<40960000xf32, #tpu.memory_space<hbm>> -> memref<12288xf32, #tpu.memory_space<hbm>>
          tpu.wait_dma2 semaphore(%arg16 : memref<!tpu.dma_semaphore, #tpu.memory_space<semaphore_mem>>) src(%dma_wait3A_188 : memref<12288xf32, #tpu.memory_space<hbm>>) dst(%arg12 : memref<12288xf32, #tpu.memory_space<vmem>>)
          %lt3A_189 = arith.constant 104 : i32
          %lt3A_190 = arith.cmpi slt, %add3A_33, %lt3A_189 : i32
          %jit3A = arith.constant 0 : i32
          %jit3A_191 = arith.constant 80 : i32
          %select_n3A = arith.select %lt3A_190, %jit3A, %jit3A_191 : i32
          %scan3A_192 = arith.constant 0 : i32
          %scan3A_193 = arith.constant 0 : i32
          %scan3A_194 = arith.constant 96 : i32
          %scan3A_195 = arith.addi %scan3A_193, %scan3A_194 : i32
          %scan3A_196 = arith.constant 1 : i32
          scf.for %scan3A_199 = %scan3A_193 to %scan3A_195 step %scan3A_196  : i32 {
            %broadcast_in_dim3A = arith.constant 0.000000e+00 : f32
            %broadcast_in_dim3A_200 = vector.broadcast %broadcast_in_dim3A : f32 to vector<16xf32>
            %iota3A = tpu.iota {dimensions = array<i32: 0>} : vector<16xi32>
            %ge3A = arith.cmpi sge, %scan3A_199, %select_n3A : i32
            %mul3A_201 = arith.constant 128 : i32
            %mul3A_202 = arith.muli %scan3A_199, %mul3A_201 : i32
            %add3A_203 = arith.constant 0 : i32
            %add3A_204 = arith.addi %mul3A_202, %add3A_203 : i32
            %get3A_205 = arith.index_cast %add3A_204 : i32 to index
            %get3A_206 = tpu.vector_load %arg12[%get3A_205] {strides = array<i32>} : memref<12288xf32, #tpu.memory_space<vmem>>, vector<16xf32>,
            %get3A_207 = vector.shape_cast %get3A_206 : vector<16xf32> to vector<16xf32>
            %select_n3A_208 = arith.select %ge3A, %get3A_207, %broadcast_in_dim3A_200 : vector<16xf32>
            %get3A_209 = arith.index_cast %scan3A_199 : i32 to index
            %get3A_210 = arith.constant 0 : index
            %get3A_211 = tpu.vector_load %arg11[%get3A_209, %get3A_210] {strides = array<i32>} : memref<96x128xf32, #tpu.memory_space<vmem>>, vector<1x16xf32>,
            %get3A_212 = vector.shape_cast %get3A_211 : vector<1x16xf32> to vector<16xf32>
            %mul3A_213 = arith.mulf %get3A_212, %select_n3A_208 : vector<16xf32>
            %swap3A_214 = arith.index_cast %scan3A_199 : i32 to index
            %swap3A_215 = arith.constant 0 : index
            %swap3A_216 = tpu.vector_load %arg13[%swap3A_214, %swap3A_215] {strides = array<i32>} : memref<96x144xf32, #tpu.memory_space<vmem>>, vector<1x16xf32>,
            %swap3A_217 = vector.shape_cast %swap3A_216 : vector<1x16xf32> to vector<16xf32>
            %swap3A_218 = vector.shape_cast %mul3A_213 : vector<16xf32> to vector<1x16xf32>
            tpu.vector_store %arg13[%swap3A_214, %swap3A_215], %swap3A_218 {strides = array<i32>} : memref<96x144xf32, #tpu.memory_space<vmem>>, vector<1x16xf32>,
            %eq3A = arith.constant 0 : i32
            %eq3A_219 = vector.broadcast %eq3A : i32 to vector<16xi32>
            %eq3A_220 = arith.cmpi eq, %iota3A, %eq3A_219 : vector<16xi32>
            %select_n3A_221 = arith.select %eq3A_220, %select_n3A_208, %broadcast_in_dim3A_200 : vector<16xi1>, vector<16xf32>
            %add3A_222 = arith.addf %broadcast_in_dim3A_200, %select_n3A_221 : vector<16xf32>
            %ge3A_223 = arith.cmpi sge, %scan3A_199, %select_n3A : i32
            %mul3A_224 = arith.constant 128 : i32
            %mul3A_225 = arith.muli %scan3A_199, %mul3A_224 : i32
            %add3A_226 = arith.constant 16 : i32
            %add3A_227 = arith.addi %mul3A_225, %add3A_226 : i32
            %get3A_228 = arith.index_cast %add3A_227 : i32 to index
            %get3A_229 = tpu.vector_load %arg12[%get3A_228] {strides = array<i32>} : memref<12288xf32, #tpu.memory_space<vmem>>, vector<16xf32>,
            %get3A_230 = vector.shape_cast %get3A_229 : vector<16xf32> to vector<16xf32>
            %select_n3A_231 = arith.select %ge3A_223, %get3A_230, %broadcast_in_dim3A_200 : vector<16xf32>
            %get3A_232 = arith.index_cast %scan3A_199 : i32 to index
            %get3A_233 = arith.constant 16 : index
            %get3A_234 = tpu.vector_load %arg11[%get3A_232, %get3A_233] {strides = array<i32>} : memref<96x128xf32, #tpu.memory_space<vmem>>, vector<1x16xf32>,
            %get3A_235 = vector.shape_cast %get3A_234 : vector<1x16xf32> to vector<16xf32>
            %mul3A_236 = arith.mulf %get3A_235, %select_n3A_231 : vector<16xf32>
            %swap3A_237 = arith.index_cast %scan3A_199 : i32 to index
            %swap3A_238 = arith.constant 16 : index
            %swap3A_239 = tpu.vector_load %arg13[%swap3A_237, %swap3A_238] {strides = array<i32>} : memref<96x144xf32, #tpu.memory_space<vmem>>, vector<1x16xf32>,
            %swap3A_240 = vector.shape_cast %swap3A_239 : vector<1x16xf32> to vector<16xf32>
            %swap3A_241 = vector.shape_cast %mul3A_236 : vector<16xf32> to vector<1x16xf32>
            tpu.vector_store %arg13[%swap3A_237, %swap3A_238], %swap3A_241 {strides = array<i32>} : memref<96x144xf32, #tpu.memory_space<vmem>>, vector<1x16xf32>,
            %eq3A_242 = arith.constant 1 : i32
            %eq3A_243 = vector.broadcast %eq3A_242 : i32 to vector<16xi32>
            %eq3A_244 = arith.cmpi eq, %iota3A, %eq3A_243 : vector<16xi32>
            %select_n3A_245 = arith.select %eq3A_244, %select_n3A_231, %broadcast_in_dim3A_200 : vector<16xi1>, vector<16xf32>
            %add3A_246 = arith.addf %add3A_222, %select_n3A_245 : vector<16xf32>
            %ge3A_247 = arith.cmpi sge, %scan3A_199, %select_n3A : i32
            %mul3A_248 = arith.constant 128 : i32
            %mul3A_249 = arith.muli %scan3A_199, %mul3A_248 : i32
            %add3A_250 = arith.constant 32 : i32
            %add3A_251 = arith.addi %mul3A_249, %add3A_250 : i32
            %get3A_252 = arith.index_cast %add3A_251 : i32 to index
            %get3A_253 = tpu.vector_load %arg12[%get3A_252] {strides = array<i32>} : memref<12288xf32, #tpu.memory_space<vmem>>, vector<16xf32>,
            %get3A_254 = vector.shape_cast %get3A_253 : vector<16xf32> to vector<16xf32>
            %select_n3A_255 = arith.select %ge3A_247, %get3A_254, %broadcast_in_dim3A_200 : vector<16xf32>
            %get3A_256 = arith.index_cast %scan3A_199 : i32 to index
            %get3A_257 = arith.constant 32 : index
            %get3A_258 = tpu.vector_load %arg11[%get3A_256, %get3A_257] {strides = array<i32>} : memref<96x128xf32, #tpu.memory_space<vmem>>, vector<1x16xf32>,
            %get3A_259 = vector.shape_cast %get3A_258 : vector<1x16xf32> to vector<16xf32>
            %mul3A_260 = arith.mulf %get3A_259, %select_n3A_255 : vector<16xf32>
            %swap3A_261 = arith.index_cast %scan3A_199 : i32 to index
            %swap3A_262 = arith.constant 32 : index
            %swap3A_263 = tpu.vector_load %arg13[%swap3A_261, %swap3A_262] {strides = array<i32>} : memref<96x144xf32, #tpu.memory_space<vmem>>, vector<1x16xf32>,
            %swap3A_264 = vector.shape_cast %swap3A_263 : vector<1x16xf32> to vector<16xf32>
            %swap3A_265 = vector.shape_cast %mul3A_260 : vector<16xf32> to vector<1x16xf32>
            tpu.vector_store %arg13[%swap3A_261, %swap3A_262], %swap3A_265 {strides = array<i32>} : memref<96x144xf32, #tpu.memory_space<vmem>>, vector<1x16xf32>,
            %eq3A_266 = arith.constant 2 : i32
            %eq3A_267 = vector.broadcast %eq3A_266 : i32 to vector<16xi32>
            %eq3A_268 = arith.cmpi eq, %iota3A, %eq3A_267 : vector<16xi32>
            %select_n3A_269 = arith.select %eq3A_268, %select_n3A_255, %broadcast_in_dim3A_200 : vector<16xi1>, vector<16xf32>
            %add3A_270 = arith.addf %add3A_246, %select_n3A_269 : vector<16xf32>
            %ge3A_271 = arith.cmpi sge, %scan3A_199, %select_n3A : i32
            %mul3A_272 = arith.constant 128 : i32
            %mul3A_273 = arith.muli %scan3A_199, %mul3A_272 : i32
            %add3A_274 = arith.constant 48 : i32
            %add3A_275 = arith.addi %mul3A_273, %add3A_274 : i32
            %get3A_276 = arith.index_cast %add3A_275 : i32 to index
            %get3A_277 = tpu.vector_load %arg12[%get3A_276] {strides = array<i32>} : memref<12288xf32, #tpu.memory_space<vmem>>, vector<16xf32>,
            %get3A_278 = vector.shape_cast %get3A_277 : vector<16xf32> to vector<16xf32>
            %select_n3A_279 = arith.select %ge3A_271, %get3A_278, %broadcast_in_dim3A_200 : vector<16xf32>
            %get3A_280 = arith.index_cast %scan3A_199 : i32 to index
            %get3A_281 = arith.constant 48 : index
            %get3A_282 = tpu.vector_load %arg11[%get3A_280, %get3A_281] {strides = array<i32>} : memref<96x128xf32, #tpu.memory_space<vmem>>, vector<1x16xf32>,
            %get3A_283 = vector.shape_cast %get3A_282 : vector<1x16xf32> to vector<16xf32>
            %mul3A_284 = arith.mulf %get3A_283, %select_n3A_279 : vector<16xf32>
            %swap3A_285 = arith.index_cast %scan3A_199 : i32 to index
            %swap3A_286 = arith.constant 48 : index
            %swap3A_287 = tpu.vector_load %arg13[%swap3A_285, %swap3A_286] {strides = array<i32>} : memref<96x144xf32, #tpu.memory_space<vmem>>, vector<1x16xf32>,
            %swap3A_288 = vector.shape_cast %swap3A_287 : vector<1x16xf32> to vector<16xf32>
            %swap3A_289 = vector.shape_cast %mul3A_284 : vector<16xf32> to vector<1x16xf32>
            tpu.vector_store %arg13[%swap3A_285, %swap3A_286], %swap3A_289 {strides = array<i32>} : memref<96x144xf32, #tpu.memory_space<vmem>>, vector<1x16xf32>,
            %eq3A_290 = arith.constant 3 : i32
            %eq3A_291 = vector.broadcast %eq3A_290 : i32 to vector<16xi32>
            %eq3A_292 = arith.cmpi eq, %iota3A, %eq3A_291 : vector<16xi32>
            %select_n3A_293 = arith.select %eq3A_292, %select_n3A_279, %broadcast_in_dim3A_200 : vector<16xi1>, vector<16xf32>
            %add3A_294 = arith.addf %add3A_270, %select_n3A_293 : vector<16xf32>
            %ge3A_295 = arith.cmpi sge, %scan3A_199, %select_n3A : i32
            %mul3A_296 = arith.constant 128 : i32
            %mul3A_297 = arith.muli %scan3A_199, %mul3A_296 : i32
            %add3A_298 = arith.constant 64 : i32
            %add3A_299 = arith.addi %mul3A_297, %add3A_298 : i32
            %get3A_300 = arith.index_cast %add3A_299 : i32 to index
            %get3A_301 = tpu.vector_load %arg12[%get3A_300] {strides = array<i32>} : memref<12288xf32, #tpu.memory_space<vmem>>, vector<16xf32>,
            %get3A_302 = vector.shape_cast %get3A_301 : vector<16xf32> to vector<16xf32>
            %select_n3A_303 = arith.select %ge3A_295, %get3A_302, %broadcast_in_dim3A_200 : vector<16xf32>
            %get3A_304 = arith.index_cast %scan3A_199 : i32 to index
            %get3A_305 = arith.constant 64 : index
            %get3A_306 = tpu.vector_load %arg11[%get3A_304, %get3A_305] {strides = array<i32>} : memref<96x128xf32, #tpu.memory_space<vmem>>, vector<1x16xf32>,
            %get3A_307 = vector.shape_cast %get3A_306 : vector<1x16xf32> to vector<16xf32>
            %mul3A_308 = arith.mulf %get3A_307, %select_n3A_303 : vector<16xf32>
            %swap3A_309 = arith.index_cast %scan3A_199 : i32 to index
            %swap3A_310 = arith.constant 64 : index
            %swap3A_311 = tpu.vector_load %arg13[%swap3A_309, %swap3A_310] {strides = array<i32>} : memref<96x144xf32, #tpu.memory_space<vmem>>, vector<1x16xf32>,
            %swap3A_312 = vector.shape_cast %swap3A_311 : vector<1x16xf32> to vector<16xf32>
            %swap3A_313 = vector.shape_cast %mul3A_308 : vector<16xf32> to vector<1x16xf32>
            tpu.vector_store %arg13[%swap3A_309, %swap3A_310], %swap3A_313 {strides = array<i32>} : memref<96x144xf32, #tpu.memory_space<vmem>>, vector<1x16xf32>,
            %eq3A_314 = arith.constant 4 : i32
            %eq3A_315 = vector.broadcast %eq3A_314 : i32 to vector<16xi32>
            %eq3A_316 = arith.cmpi eq, %iota3A, %eq3A_315 : vector<16xi32>
            %select_n3A_317 = arith.select %eq3A_316, %select_n3A_303, %broadcast_in_dim3A_200 : vector<16xi1>, vector<16xf32>
            %add3A_318 = arith.addf %add3A_294, %select_n3A_317 : vector<16xf32>
            %ge3A_319 = arith.cmpi sge, %scan3A_199, %select_n3A : i32
            %mul3A_320 = arith.constant 128 : i32
            %mul3A_321 = arith.muli %scan3A_199, %mul3A_320 : i32
            %add3A_322 = arith.constant 80 : i32
            %add3A_323 = arith.addi %mul3A_321, %add3A_322 : i32
            %get3A_324 = arith.index_cast %add3A_323 : i32 to index
            %get3A_325 = tpu.vector_load %arg12[%get3A_324] {strides = array<i32>} : memref<12288xf32, #tpu.memory_space<vmem>>, vector<16xf32>,
            %get3A_326 = vector.shape_cast %get3A_325 : vector<16xf32> to vector<16xf32>
            %select_n3A_327 = arith.select %ge3A_319, %get3A_326, %broadcast_in_dim3A_200 : vector<16xf32>
            %get3A_328 = arith.index_cast %scan3A_199 : i32 to index
            %get3A_329 = arith.constant 80 : index
            %get3A_330 = tpu.vector_load %arg11[%get3A_328, %get3A_329] {strides = array<i32>} : memref<96x128xf32, #tpu.memory_space<vmem>>, vector<1x16xf32>,
            %get3A_331 = vector.shape_cast %get3A_330 : vector<1x16xf32> to vector<16xf32>
            %mul3A_332 = arith.mulf %get3A_331, %select_n3A_327 : vector<16xf32>
            %swap3A_333 = arith.index_cast %scan3A_199 : i32 to index
            %swap3A_334 = arith.constant 80 : index
            %swap3A_335 = tpu.vector_load %arg13[%swap3A_333, %swap3A_334] {strides = array<i32>} : memref<96x144xf32, #tpu.memory_space<vmem>>, vector<1x16xf32>,
            %swap3A_336 = vector.shape_cast %swap3A_335 : vector<1x16xf32> to vector<16xf32>
            %swap3A_337 = vector.shape_cast %mul3A_332 : vector<16xf32> to vector<1x16xf32>
            tpu.vector_store %arg13[%swap3A_333, %swap3A_334], %swap3A_337 {strides = array<i32>} : memref<96x144xf32, #tpu.memory_space<vmem>>, vector<1x16xf32>,
            %eq3A_338 = arith.constant 5 : i32
            %eq3A_339 = vector.broadcast %eq3A_338 : i32 to vector<16xi32>
            %eq3A_340 = arith.cmpi eq, %iota3A, %eq3A_339 : vector<16xi32>
            %select_n3A_341 = arith.select %eq3A_340, %select_n3A_327, %broadcast_in_dim3A_200 : vector<16xi1>, vector<16xf32>
            %add3A_342 = arith.addf %add3A_318, %select_n3A_341 : vector<16xf32>
            %ge3A_343 = arith.cmpi sge, %scan3A_199, %select_n3A : i32
            %mul3A_344 = arith.constant 128 : i32
            %mul3A_345 = arith.muli %scan3A_199, %mul3A_344 : i32
            %add3A_346 = arith.constant 96 : i32
            %add3A_347 = arith.addi %mul3A_345, %add3A_346 : i32
            %get3A_348 = arith.index_cast %add3A_347 : i32 to index
            %get3A_349 = tpu.vector_load %arg12[%get3A_348] {strides = array<i32>} : memref<12288xf32, #tpu.memory_space<vmem>>, vector<16xf32>,
            %get3A_350 = vector.shape_cast %get3A_349 : vector<16xf32> to vector<16xf32>
            %select_n3A_351 = arith.select %ge3A_343, %get3A_350, %broadcast_in_dim3A_200 : vector<16xf32>
            %get3A_352 = arith.index_cast %scan3A_199 : i32 to index
            %get3A_353 = arith.constant 96 : index
            %get3A_354 = tpu.vector_load %arg11[%get3A_352, %get3A_353] {strides = array<i32>} : memref<96x128xf32, #tpu.memory_space<vmem>>, vector<1x16xf32>,
            %get3A_355 = vector.shape_cast %get3A_354 : vector<1x16xf32> to vector<16xf32>
            %mul3A_356 = arith.mulf %get3A_355, %select_n3A_351 : vector<16xf32>
            %swap3A_357 = arith.index_cast %scan3A_199 : i32 to index
            %swap3A_358 = arith.constant 96 : index
            %swap3A_359 = tpu.vector_load %arg13[%swap3A_357, %swap3A_358] {strides = array<i32>} : memref<96x144xf32, #tpu.memory_space<vmem>>, vector<1x16xf32>,
            %swap3A_360 = vector.shape_cast %swap3A_359 : vector<1x16xf32> to vector<16xf32>
            %swap3A_361 = vector.shape_cast %mul3A_356 : vector<16xf32> to vector<1x16xf32>
            tpu.vector_store %arg13[%swap3A_357, %swap3A_358], %swap3A_361 {strides = array<i32>} : memref<96x144xf32, #tpu.memory_space<vmem>>, vector<1x16xf32>,
            %eq3A_362 = arith.constant 6 : i32
            %eq3A_363 = vector.broadcast %eq3A_362 : i32 to vector<16xi32>
            %eq3A_364 = arith.cmpi eq, %iota3A, %eq3A_363 : vector<16xi32>
            %select_n3A_365 = arith.select %eq3A_364, %select_n3A_351, %broadcast_in_dim3A_200 : vector<16xi1>, vector<16xf32>
            %add3A_366 = arith.addf %add3A_342, %select_n3A_365 : vector<16xf32>
            %ge3A_367 = arith.cmpi sge, %scan3A_199, %select_n3A : i32
            %mul3A_368 = arith.constant 128 : i32
            %mul3A_369 = arith.muli %scan3A_199, %mul3A_368 : i32
            %add3A_370 = arith.constant 112 : i32
            %add3A_371 = arith.addi %mul3A_369, %add3A_370 : i32
            %get3A_372 = arith.index_cast %add3A_371 : i32 to index
            %get3A_373 = tpu.vector_load %arg12[%get3A_372] {strides = array<i32>} : memref<12288xf32, #tpu.memory_space<vmem>>, vector<16xf32>,
            %get3A_374 = vector.shape_cast %get3A_373 : vector<16xf32> to vector<16xf32>
            %select_n3A_375 = arith.select %ge3A_367, %get3A_374, %broadcast_in_dim3A_200 : vector<16xf32>
            %get3A_376 = arith.index_cast %scan3A_199 : i32 to index
            %get3A_377 = arith.constant 112 : index
            %get3A_378 = tpu.vector_load %arg11[%get3A_376, %get3A_377] {strides = array<i32>} : memref<96x128xf32, #tpu.memory_space<vmem>>, vector<1x16xf32>,
            %get3A_379 = vector.shape_cast %get3A_378 : vector<1x16xf32> to vector<16xf32>
            %mul3A_380 = arith.mulf %get3A_379, %select_n3A_375 : vector<16xf32>
            %swap3A_381 = arith.index_cast %scan3A_199 : i32 to index
            %swap3A_382 = arith.constant 112 : index
            %swap3A_383 = tpu.vector_load %arg13[%swap3A_381, %swap3A_382] {strides = array<i32>} : memref<96x144xf32, #tpu.memory_space<vmem>>, vector<1x16xf32>,
            %swap3A_384 = vector.shape_cast %swap3A_383 : vector<1x16xf32> to vector<16xf32>
            %swap3A_385 = vector.shape_cast %mul3A_380 : vector<16xf32> to vector<1x16xf32>
            tpu.vector_store %arg13[%swap3A_381, %swap3A_382], %swap3A_385 {strides = array<i32>} : memref<96x144xf32, #tpu.memory_space<vmem>>, vector<1x16xf32>,
            %eq3A_386 = arith.constant 7 : i32
            %eq3A_387 = vector.broadcast %eq3A_386 : i32 to vector<16xi32>
            %eq3A_388 = arith.cmpi eq, %iota3A, %eq3A_387 : vector<16xi32>
            %select_n3A_389 = arith.select %eq3A_388, %select_n3A_375, %broadcast_in_dim3A_200 : vector<16xi1>, vector<16xf32>
            %add3A_390 = arith.addf %add3A_366, %select_n3A_389 : vector<16xf32>
            %swap3A_391 = arith.index_cast %scan3A_199 : i32 to index
            %swap3A_392 = arith.constant 128 : index
            %swap3A_393 = tpu.vector_load %arg13[%swap3A_391, %swap3A_392] {strides = array<i32>} : memref<96x144xf32, #tpu.memory_space<vmem>>, vector<1x16xf32>,
            %swap3A_394 = vector.shape_cast %swap3A_393 : vector<1x16xf32> to vector<16xf32>
            %swap3A_395 = vector.shape_cast %add3A_390 : vector<16xf32> to vector<1x16xf32>
            tpu.vector_store %arg13[%swap3A_391, %swap3A_392], %swap3A_395 {strides = array<i32>} : memref<96x144xf32, #tpu.memory_space<vmem>>, vector<1x16xf32>,
          }
          %scan3A_197 = arith.constant 96 : i32
          %run_scoped3A_198 = arith.constant 0 : i32
          "tpu.region"() ({
            %run_scoped3A_199 = tpu.sem_alloc : memref<!tpu.dma_semaphore, #tpu.memory_space<semaphore_mem>>
            %dma_start3A_200 = arith.constant 0 : i32
            %dma_start3A_201 = tpu.memref_slice %arg10[%run_scoped3A_198, %dma_start3A_200] : memref<1x96xi32, #tpu.memory_space<vmem>> -> memref<1x96xi32, #tpu.memory_space<vmem>>
            %dma_start3A_202 = tpu.memref_squeeze %dma_start3A_201 : memref<1x96xi32, #tpu.memory_space<vmem>> -> memref<96xi32, #tpu.memory_space<vmem>>
            %dma_start3A_203 = arith.constant 0 : i32
            %dma_start3A_204 = arith.constant 0 : i32
            %dma_start3A_205 = tpu.memref_slice %arg14[%dma_start3A_203, %dma_start3A_204] : memref<10000x144xf32, #tpu.memory_space<vmem_shared>> -> memref<10000x144xf32, #tpu.memory_space<vmem_shared>>
            tpu.enqueue_indirect_dma source(%arg13 : memref<96x144xf32, #tpu.memory_space<vmem>>) target(%dma_start3A_205 : memref<10000x144xf32, #tpu.memory_space<vmem_shared>>) offsets(%dma_start3A_202 : memref<96xi32, #tpu.memory_space<vmem>>) semaphore(%run_scoped3A_199 : memref<!tpu.dma_semaphore, #tpu.memory_space<semaphore_mem>>) {add = true}
            %dma_wait3A_206 = arith.constant 0 : i32
            %dma_wait3A_207 = tpu.memref_slice %arg10[%run_scoped3A_198, %dma_wait3A_206] : memref<1x96xi32, #tpu.memory_space<vmem>> -> memref<1x96xi32, #tpu.memory_space<vmem>>
            %dma_wait3A_208 = tpu.memref_squeeze %dma_wait3A_207 : memref<1x96xi32, #tpu.memory_space<vmem>> -> memref<96xi32, #tpu.memory_space<vmem>>
            %dma_wait3A_209 = arith.constant 0 : i32
            %dma_wait3A_210 = arith.constant 0 : i32
            %dma_wait3A_211 = tpu.memref_slice %arg14[%dma_wait3A_209, %dma_wait3A_210] : memref<10000x144xf32, #tpu.memory_space<vmem_shared>> -> memref<10000x144xf32, #tpu.memory_space<vmem_shared>>
            tpu.wait_indirect_dma semaphore(%run_scoped3A_199 : memref<!tpu.dma_semaphore, #tpu.memory_space<semaphore_mem>>) src(%arg13 : memref<96x144xf32, #tpu.memory_space<vmem>>) dst(%dma_wait3A_211 : memref<10000x144xf32, #tpu.memory_space<vmem_shared>>)
            tpu.yield
          }) : () -> ()
        } else {
        }
      }
      %scan3A_29 = arith.constant 10 : i32
    }
    %scan3A_11 = arith.constant 11 : i32
    %barrier3A_12 = arith.constant 0 : index
    tpu.barrier barrier_id(%barrier3A_12)
    %mul3A_13 = arith.constant 625 : i32
    %mul3A_14 = arith.muli %arg1, %mul3A_13 : i32
    %mul3A_15 = arith.constant 625 : i32
    %mul3A_16 = arith.muli %arg1, %mul3A_15 : i32
    "tpu.region"() ({
      %run_scoped3A = tpu.sem_alloc : memref<!tpu.dma_semaphore, #tpu.memory_space<semaphore_mem>>
      %dma_start3A = arith.constant 0 : i32
      %dma_start3A_17 = tpu.memref_slice %arg6[%arg0, %mul3A_16, %dma_start3A] : memref<2x10000x144xf32, #tpu.memory_space<hbm>> -> memref<1x625x144xf32, #tpu.memory_space<hbm>>
      %dma_start3A_18 = tpu.memref_squeeze %dma_start3A_17 : memref<1x625x144xf32, #tpu.memory_space<hbm>> -> memref<625x144xf32, #tpu.memory_space<hbm>>
      %dma_start3A_19 = arith.constant 0 : i32
      %dma_start3A_20 = tpu.memref_slice %arg14[%mul3A_14, %dma_start3A_19] : memref<10000x144xf32, #tpu.memory_space<vmem_shared>> -> memref<625x144xf32, #tpu.memory_space<vmem_shared>>
      tpu.enqueue_dma source(%dma_start3A_20 : memref<625x144xf32, #tpu.memory_space<vmem_shared>>) target(%dma_start3A_18 : memref<625x144xf32, #tpu.memory_space<hbm>>) target_semaphore(%run_scoped3A : memref<!tpu.dma_semaphore, #tpu.memory_space<semaphore_mem>>)
      %dma_wait3A = arith.constant 0 : i32
      %dma_wait3A_21 = tpu.memref_slice %arg6[%arg0, %mul3A_16, %dma_wait3A] : memref<2x10000x144xf32, #tpu.memory_space<hbm>> -> memref<1x625x144xf32, #tpu.memory_space<hbm>>
      %dma_wait3A_22 = tpu.memref_squeeze %dma_wait3A_21 : memref<1x625x144xf32, #tpu.memory_space<hbm>> -> memref<625x144xf32, #tpu.memory_space<hbm>>
      %dma_wait3A_23 = arith.constant 0 : i32
      %dma_wait3A_24 = tpu.memref_slice %arg14[%mul3A_14, %dma_wait3A_23] : memref<10000x144xf32, #tpu.memory_space<vmem_shared>> -> memref<625x144xf32, #tpu.memory_space<vmem_shared>>
      tpu.wait_dma2 semaphore(%run_scoped3A : memref<!tpu.dma_semaphore, #tpu.memory_space<semaphore_mem>>) src(%dma_wait3A_24 : memref<625x144xf32, #tpu.memory_space<vmem_shared>>) dst(%dma_wait3A_22 : memref<625x144xf32, #tpu.memory_space<hbm>>)
      tpu.yield
    }) : () -> ()
    return
  }
}

#map = affine_map<(d0, d1) -> (0, 0)>
module attributes {stable_mosaic.version = 14 : i64} {
  func.func @_sc_gather_body(%arg0: i32, %arg1: i32, %arg2: memref<10000x128xf32, #tpu.memory_space<hbm>>, %arg3: memref<10000x128xf32, #tpu.memory_space<hbm>>, %arg4: memref<10000x128xf32, #tpu.memory_space<hbm>>, %arg5: memref<2x320000xi32, #tpu.memory_space<hbm>>, %arg6: memref<320000x128xf32, #tpu.memory_space<hbm>>, %arg7: memref<320000x128xf32, #tpu.memory_space<hbm>>, %arg8: memref<320000x128xf32, #tpu.memory_space<hbm>>, %arg9: memref<320000x128xf32, #tpu.memory_space<hbm>>, %arg10: memref<10000xi32, #tpu.memory_space<vmem>>, %arg11: memref<10000xi32, #tpu.memory_space<vmem>>, %arg12: memref<1x128xi32, #tpu.memory_space<vmem>>, %arg13: memref<1x128xi32, #tpu.memory_space<vmem>>, %arg14: memref<128x128xf32, #tpu.memory_space<vmem>>, %arg15: memref<128x128xf32, #tpu.memory_space<vmem>>, %arg16: memref<128x128xf32, #tpu.memory_space<vmem>>, %arg17: memref<128x128xf32, #tpu.memory_space<vmem>>, %arg18: memref<!tpu.dma_semaphore, #tpu.memory_space<semaphore_mem>>, %arg19: memref<!tpu.dma_semaphore, #tpu.memory_space<semaphore_mem>>, %arg20: memref<!tpu.dma_semaphore, #tpu.memory_space<semaphore_mem>>, %arg21: memref<!tpu.dma_semaphore, #tpu.memory_space<semaphore_mem>>) attributes {dimension_semantics = [#tpu.dimension_semantics<core_parallel>, #tpu.dimension_semantics<subcore_parallel>], iteration_bounds = array<i64: 2, 16>, scalar_prefetch = 0 : i64, scratch_operands = 12 : i64, tpu.core_type = #tpu.core_type<sc_vector_subcore>, window_params = [{transform_indices = #map}, {transform_indices = #map}, {transform_indices = #map}, {transform_indices = #map}, {transform_indices = #map}, {transform_indices = #map}, {transform_indices = #map}, {transform_indices = #map}]} {
    %mul3A = arith.constant 2 : i32
    %mul3A_0 = arith.muli %arg1, %mul3A : i32
    %add3A = arith.addi %mul3A_0, %arg0 : i32
    %mul3A_1 = arith.constant 10000 : i32
    %mul3A_2 = arith.muli %add3A, %mul3A_1 : i32
    %run_scoped3A = arith.constant 0 : i32
    "tpu.region"() ({
      %run_scoped3A_9 = tpu.sem_alloc : memref<!tpu.dma_semaphore, #tpu.memory_space<semaphore_mem>>
      %dma_start3A = tpu.memref_slice %arg5[%run_scoped3A, %mul3A_2] : memref<2x320000xi32, #tpu.memory_space<hbm>> -> memref<1x10000xi32, #tpu.memory_space<hbm>>
      %dma_start3A_10 = tpu.memref_squeeze %dma_start3A : memref<1x10000xi32, #tpu.memory_space<hbm>> -> memref<10000xi32, #tpu.memory_space<hbm>>
      %dma_start3A_11 = tpu.memref_slice %arg5[%run_scoped3A, %mul3A_2] : memref<2x320000xi32, #tpu.memory_space<hbm>> -> memref<1x10000xi32, #tpu.memory_space<hbm>>
      %dma_start3A_12 = tpu.memref_squeeze %dma_start3A_11 : memref<1x10000xi32, #tpu.memory_space<hbm>> -> memref<10000xi32, #tpu.memory_space<hbm>>
      tpu.enqueue_dma source(%dma_start3A_12 : memref<10000xi32, #tpu.memory_space<hbm>>) target(%arg11 : memref<10000xi32, #tpu.memory_space<vmem>>) target_semaphore(%run_scoped3A_9 : memref<!tpu.dma_semaphore, #tpu.memory_space<semaphore_mem>>)
      %dma_wait3A = tpu.memref_slice %arg5[%run_scoped3A, %mul3A_2] : memref<2x320000xi32, #tpu.memory_space<hbm>> -> memref<1x10000xi32, #tpu.memory_space<hbm>>
      %dma_wait3A_13 = tpu.memref_squeeze %dma_wait3A : memref<1x10000xi32, #tpu.memory_space<hbm>> -> memref<10000xi32, #tpu.memory_space<hbm>>
      %dma_wait3A_14 = tpu.memref_slice %arg5[%run_scoped3A, %mul3A_2] : memref<2x320000xi32, #tpu.memory_space<hbm>> -> memref<1x10000xi32, #tpu.memory_space<hbm>>
      %dma_wait3A_15 = tpu.memref_squeeze %dma_wait3A_14 : memref<1x10000xi32, #tpu.memory_space<hbm>> -> memref<10000xi32, #tpu.memory_space<hbm>>
      tpu.wait_dma2 semaphore(%run_scoped3A_9 : memref<!tpu.dma_semaphore, #tpu.memory_space<semaphore_mem>>) src(%dma_wait3A_15 : memref<10000xi32, #tpu.memory_space<hbm>>) dst(%arg11 : memref<10000xi32, #tpu.memory_space<vmem>>)
      tpu.yield
    }) : () -> ()
    %run_scoped3A_3 = arith.constant 1 : i32
    "tpu.region"() ({
      %run_scoped3A_9 = tpu.sem_alloc : memref<!tpu.dma_semaphore, #tpu.memory_space<semaphore_mem>>
      %dma_start3A = tpu.memref_slice %arg5[%run_scoped3A_3, %mul3A_2] : memref<2x320000xi32, #tpu.memory_space<hbm>> -> memref<1x10000xi32, #tpu.memory_space<hbm>>
      %dma_start3A_10 = tpu.memref_squeeze %dma_start3A : memref<1x10000xi32, #tpu.memory_space<hbm>> -> memref<10000xi32, #tpu.memory_space<hbm>>
      %dma_start3A_11 = tpu.memref_slice %arg5[%run_scoped3A_3, %mul3A_2] : memref<2x320000xi32, #tpu.memory_space<hbm>> -> memref<1x10000xi32, #tpu.memory_space<hbm>>
      %dma_start3A_12 = tpu.memref_squeeze %dma_start3A_11 : memref<1x10000xi32, #tpu.memory_space<hbm>> -> memref<10000xi32, #tpu.memory_space<hbm>>
      tpu.enqueue_dma source(%dma_start3A_12 : memref<10000xi32, #tpu.memory_space<hbm>>) target(%arg10 : memref<10000xi32, #tpu.memory_space<vmem>>) target_semaphore(%run_scoped3A_9 : memref<!tpu.dma_semaphore, #tpu.memory_space<semaphore_mem>>)
      %dma_wait3A = tpu.memref_slice %arg5[%run_scoped3A_3, %mul3A_2] : memref<2x320000xi32, #tpu.memory_space<hbm>> -> memref<1x10000xi32, #tpu.memory_space<hbm>>
      %dma_wait3A_13 = tpu.memref_squeeze %dma_wait3A : memref<1x10000xi32, #tpu.memory_space<hbm>> -> memref<10000xi32, #tpu.memory_space<hbm>>
      %dma_wait3A_14 = tpu.memref_slice %arg5[%run_scoped3A_3, %mul3A_2] : memref<2x320000xi32, #tpu.memory_space<hbm>> -> memref<1x10000xi32, #tpu.memory_space<hbm>>
      %dma_wait3A_15 = tpu.memref_squeeze %dma_wait3A_14 : memref<1x10000xi32, #tpu.memory_space<hbm>> -> memref<10000xi32, #tpu.memory_space<hbm>>
      tpu.wait_dma2 semaphore(%run_scoped3A_9 : memref<!tpu.dma_semaphore, #tpu.memory_space<semaphore_mem>>) src(%dma_wait3A_15 : memref<10000xi32, #tpu.memory_space<hbm>>) dst(%arg10 : memref<10000xi32, #tpu.memory_space<vmem>>)
      tpu.yield
    }) : () -> ()
    %scan3A = arith.constant 0 : i32
    %scan3A_4 = arith.constant 0 : i32
    %scan3A_5 = arith.constant 80 : i32
    %scan3A_6 = arith.addi %scan3A_4, %scan3A_5 : i32
    %scan3A_7 = arith.constant 1 : i32
    scf.for %scan3A_9 = %scan3A_4 to %scan3A_6 step %scan3A_7  : i32 {
      %mul3A_10 = arith.constant 128 : i32
      %mul3A_11 = arith.muli %scan3A_9, %mul3A_10 : i32
      %min3A = arith.constant 9872 : i32
      %min3A_12 = arith.minsi %mul3A_11, %min3A : i32
      %add3A_13 = arith.constant 0 : i32
      %add3A_14 = arith.addi %min3A_12, %add3A_13 : i32
      %get3A = arith.index_cast %add3A_14 : i32 to index
      %get3A_15 = tpu.vector_load %arg10[%get3A] {strides = array<i32>} : memref<10000xi32, #tpu.memory_space<vmem>>, vector<16xi32>,
      %get3A_16 = vector.shape_cast %get3A_15 : vector<16xi32> to vector<16xi32>
      %swap3A = arith.constant 0 : i32
      %swap3A_17 = arith.index_cast %swap3A : i32 to index
      %swap3A_18 = arith.constant 0 : index
      %swap3A_19 = tpu.vector_load %arg12[%swap3A_17, %swap3A_18] {strides = array<i32>} : memref<1x128xi32, #tpu.memory_space<vmem>>, vector<1x16xi32>,
      %swap3A_20 = vector.shape_cast %swap3A_19 : vector<1x16xi32> to vector<16xi32>
      %swap3A_21 = vector.shape_cast %get3A_16 : vector<16xi32> to vector<1x16xi32>
      tpu.vector_store %arg12[%swap3A_17, %swap3A_18], %swap3A_21 {strides = array<i32>} : memref<1x128xi32, #tpu.memory_space<vmem>>, vector<1x16xi32>,
      %add3A_22 = arith.constant 0 : i32
      %add3A_23 = arith.addi %min3A_12, %add3A_22 : i32
      %get3A_24 = arith.index_cast %add3A_23 : i32 to index
      %get3A_25 = tpu.vector_load %arg11[%get3A_24] {strides = array<i32>} : memref<10000xi32, #tpu.memory_space<vmem>>, vector<16xi32>,
      %get3A_26 = vector.shape_cast %get3A_25 : vector<16xi32> to vector<16xi32>
      %swap3A_27 = arith.constant 0 : i32
      %swap3A_28 = arith.index_cast %swap3A_27 : i32 to index
      %swap3A_29 = arith.constant 0 : index
      %swap3A_30 = tpu.vector_load %arg13[%swap3A_28, %swap3A_29] {strides = array<i32>} : memref<1x128xi32, #tpu.memory_space<vmem>>, vector<1x16xi32>,
      %swap3A_31 = vector.shape_cast %swap3A_30 : vector<1x16xi32> to vector<16xi32>
      %swap3A_32 = vector.shape_cast %get3A_26 : vector<16xi32> to vector<1x16xi32>
      tpu.vector_store %arg13[%swap3A_28, %swap3A_29], %swap3A_32 {strides = array<i32>} : memref<1x128xi32, #tpu.memory_space<vmem>>, vector<1x16xi32>,
      %add3A_33 = arith.constant 16 : i32
      %add3A_34 = arith.addi %min3A_12, %add3A_33 : i32
      %get3A_35 = arith.index_cast %add3A_34 : i32 to index
      %get3A_36 = tpu.vector_load %arg10[%get3A_35] {strides = array<i32>} : memref<10000xi32, #tpu.memory_space<vmem>>, vector<16xi32>,
      %get3A_37 = vector.shape_cast %get3A_36 : vector<16xi32> to vector<16xi32>
      %swap3A_38 = arith.constant 0 : i32
      %swap3A_39 = arith.index_cast %swap3A_38 : i32 to index
      %swap3A_40 = arith.constant 16 : index
      %swap3A_41 = tpu.vector_load %arg12[%swap3A_39, %swap3A_40] {strides = array<i32>} : memref<1x128xi32, #tpu.memory_space<vmem>>, vector<1x16xi32>,
      %swap3A_42 = vector.shape_cast %swap3A_41 : vector<1x16xi32> to vector<16xi32>
      %swap3A_43 = vector.shape_cast %get3A_37 : vector<16xi32> to vector<1x16xi32>
      tpu.vector_store %arg12[%swap3A_39, %swap3A_40], %swap3A_43 {strides = array<i32>} : memref<1x128xi32, #tpu.memory_space<vmem>>, vector<1x16xi32>,
      %add3A_44 = arith.constant 16 : i32
      %add3A_45 = arith.addi %min3A_12, %add3A_44 : i32
      %get3A_46 = arith.index_cast %add3A_45 : i32 to index
      %get3A_47 = tpu.vector_load %arg11[%get3A_46] {strides = array<i32>} : memref<10000xi32, #tpu.memory_space<vmem>>, vector<16xi32>,
      %get3A_48 = vector.shape_cast %get3A_47 : vector<16xi32> to vector<16xi32>
      %swap3A_49 = arith.constant 0 : i32
      %swap3A_50 = arith.index_cast %swap3A_49 : i32 to index
      %swap3A_51 = arith.constant 16 : index
      %swap3A_52 = tpu.vector_load %arg13[%swap3A_50, %swap3A_51] {strides = array<i32>} : memref<1x128xi32, #tpu.memory_space<vmem>>, vector<1x16xi32>,
      %swap3A_53 = vector.shape_cast %swap3A_52 : vector<1x16xi32> to vector<16xi32>
      %swap3A_54 = vector.shape_cast %get3A_48 : vector<16xi32> to vector<1x16xi32>
      tpu.vector_store %arg13[%swap3A_50, %swap3A_51], %swap3A_54 {strides = array<i32>} : memref<1x128xi32, #tpu.memory_space<vmem>>, vector<1x16xi32>,
      %add3A_55 = arith.constant 32 : i32
      %add3A_56 = arith.addi %min3A_12, %add3A_55 : i32
      %get3A_57 = arith.index_cast %add3A_56 : i32 to index
      %get3A_58 = tpu.vector_load %arg10[%get3A_57] {strides = array<i32>} : memref<10000xi32, #tpu.memory_space<vmem>>, vector<16xi32>,
      %get3A_59 = vector.shape_cast %get3A_58 : vector<16xi32> to vector<16xi32>
      %swap3A_60 = arith.constant 0 : i32
      %swap3A_61 = arith.index_cast %swap3A_60 : i32 to index
      %swap3A_62 = arith.constant 32 : index
      %swap3A_63 = tpu.vector_load %arg12[%swap3A_61, %swap3A_62] {strides = array<i32>} : memref<1x128xi32, #tpu.memory_space<vmem>>, vector<1x16xi32>,
      %swap3A_64 = vector.shape_cast %swap3A_63 : vector<1x16xi32> to vector<16xi32>
      %swap3A_65 = vector.shape_cast %get3A_59 : vector<16xi32> to vector<1x16xi32>
      tpu.vector_store %arg12[%swap3A_61, %swap3A_62], %swap3A_65 {strides = array<i32>} : memref<1x128xi32, #tpu.memory_space<vmem>>, vector<1x16xi32>,
      %add3A_66 = arith.constant 32 : i32
      %add3A_67 = arith.addi %min3A_12, %add3A_66 : i32
      %get3A_68 = arith.index_cast %add3A_67 : i32 to index
      %get3A_69 = tpu.vector_load %arg11[%get3A_68] {strides = array<i32>} : memref<10000xi32, #tpu.memory_space<vmem>>, vector<16xi32>,
      %get3A_70 = vector.shape_cast %get3A_69 : vector<16xi32> to vector<16xi32>
      %swap3A_71 = arith.constant 0 : i32
      %swap3A_72 = arith.index_cast %swap3A_71 : i32 to index
      %swap3A_73 = arith.constant 32 : index
      %swap3A_74 = tpu.vector_load %arg13[%swap3A_72, %swap3A_73] {strides = array<i32>} : memref<1x128xi32, #tpu.memory_space<vmem>>, vector<1x16xi32>,
      %swap3A_75 = vector.shape_cast %swap3A_74 : vector<1x16xi32> to vector<16xi32>
      %swap3A_76 = vector.shape_cast %get3A_70 : vector<16xi32> to vector<1x16xi32>
      tpu.vector_store %arg13[%swap3A_72, %swap3A_73], %swap3A_76 {strides = array<i32>} : memref<1x128xi32, #tpu.memory_space<vmem>>, vector<1x16xi32>,
      %add3A_77 = arith.constant 48 : i32
      %add3A_78 = arith.addi %min3A_12, %add3A_77 : i32
      %get3A_79 = arith.index_cast %add3A_78 : i32 to index
      %get3A_80 = tpu.vector_load %arg10[%get3A_79] {strides = array<i32>} : memref<10000xi32, #tpu.memory_space<vmem>>, vector<16xi32>,
      %get3A_81 = vector.shape_cast %get3A_80 : vector<16xi32> to vector<16xi32>
      %swap3A_82 = arith.constant 0 : i32
      %swap3A_83 = arith.index_cast %swap3A_82 : i32 to index
      %swap3A_84 = arith.constant 48 : index
      %swap3A_85 = tpu.vector_load %arg12[%swap3A_83, %swap3A_84] {strides = array<i32>} : memref<1x128xi32, #tpu.memory_space<vmem>>, vector<1x16xi32>,
      %swap3A_86 = vector.shape_cast %swap3A_85 : vector<1x16xi32> to vector<16xi32>
      %swap3A_87 = vector.shape_cast %get3A_81 : vector<16xi32> to vector<1x16xi32>
      tpu.vector_store %arg12[%swap3A_83, %swap3A_84], %swap3A_87 {strides = array<i32>} : memref<1x128xi32, #tpu.memory_space<vmem>>, vector<1x16xi32>,
      %add3A_88 = arith.constant 48 : i32
      %add3A_89 = arith.addi %min3A_12, %add3A_88 : i32
      %get3A_90 = arith.index_cast %add3A_89 : i32 to index
      %get3A_91 = tpu.vector_load %arg11[%get3A_90] {strides = array<i32>} : memref<10000xi32, #tpu.memory_space<vmem>>, vector<16xi32>,
      %get3A_92 = vector.shape_cast %get3A_91 : vector<16xi32> to vector<16xi32>
      %swap3A_93 = arith.constant 0 : i32
      %swap3A_94 = arith.index_cast %swap3A_93 : i32 to index
      %swap3A_95 = arith.constant 48 : index
      %swap3A_96 = tpu.vector_load %arg13[%swap3A_94, %swap3A_95] {strides = array<i32>} : memref<1x128xi32, #tpu.memory_space<vmem>>, vector<1x16xi32>,
      %swap3A_97 = vector.shape_cast %swap3A_96 : vector<1x16xi32> to vector<16xi32>
      %swap3A_98 = vector.shape_cast %get3A_92 : vector<16xi32> to vector<1x16xi32>
      tpu.vector_store %arg13[%swap3A_94, %swap3A_95], %swap3A_98 {strides = array<i32>} : memref<1x128xi32, #tpu.memory_space<vmem>>, vector<1x16xi32>,
      %add3A_99 = arith.constant 64 : i32
      %add3A_100 = arith.addi %min3A_12, %add3A_99 : i32
      %get3A_101 = arith.index_cast %add3A_100 : i32 to index
      %get3A_102 = tpu.vector_load %arg10[%get3A_101] {strides = array<i32>} : memref<10000xi32, #tpu.memory_space<vmem>>, vector<16xi32>,
      %get3A_103 = vector.shape_cast %get3A_102 : vector<16xi32> to vector<16xi32>
      %swap3A_104 = arith.constant 0 : i32
      %swap3A_105 = arith.index_cast %swap3A_104 : i32 to index
      %swap3A_106 = arith.constant 64 : index
      %swap3A_107 = tpu.vector_load %arg12[%swap3A_105, %swap3A_106] {strides = array<i32>} : memref<1x128xi32, #tpu.memory_space<vmem>>, vector<1x16xi32>,
      %swap3A_108 = vector.shape_cast %swap3A_107 : vector<1x16xi32> to vector<16xi32>
      %swap3A_109 = vector.shape_cast %get3A_103 : vector<16xi32> to vector<1x16xi32>
      tpu.vector_store %arg12[%swap3A_105, %swap3A_106], %swap3A_109 {strides = array<i32>} : memref<1x128xi32, #tpu.memory_space<vmem>>, vector<1x16xi32>,
      %add3A_110 = arith.constant 64 : i32
      %add3A_111 = arith.addi %min3A_12, %add3A_110 : i32
      %get3A_112 = arith.index_cast %add3A_111 : i32 to index
      %get3A_113 = tpu.vector_load %arg11[%get3A_112] {strides = array<i32>} : memref<10000xi32, #tpu.memory_space<vmem>>, vector<16xi32>,
      %get3A_114 = vector.shape_cast %get3A_113 : vector<16xi32> to vector<16xi32>
      %swap3A_115 = arith.constant 0 : i32
      %swap3A_116 = arith.index_cast %swap3A_115 : i32 to index
      %swap3A_117 = arith.constant 64 : index
      %swap3A_118 = tpu.vector_load %arg13[%swap3A_116, %swap3A_117] {strides = array<i32>} : memref<1x128xi32, #tpu.memory_space<vmem>>, vector<1x16xi32>,
      %swap3A_119 = vector.shape_cast %swap3A_118 : vector<1x16xi32> to vector<16xi32>
      %swap3A_120 = vector.shape_cast %get3A_114 : vector<16xi32> to vector<1x16xi32>
      tpu.vector_store %arg13[%swap3A_116, %swap3A_117], %swap3A_120 {strides = array<i32>} : memref<1x128xi32, #tpu.memory_space<vmem>>, vector<1x16xi32>,
      %add3A_121 = arith.constant 80 : i32
      %add3A_122 = arith.addi %min3A_12, %add3A_121 : i32
      %get3A_123 = arith.index_cast %add3A_122 : i32 to index
      %get3A_124 = tpu.vector_load %arg10[%get3A_123] {strides = array<i32>} : memref<10000xi32, #tpu.memory_space<vmem>>, vector<16xi32>,
      %get3A_125 = vector.shape_cast %get3A_124 : vector<16xi32> to vector<16xi32>
      %swap3A_126 = arith.constant 0 : i32
      %swap3A_127 = arith.index_cast %swap3A_126 : i32 to index
      %swap3A_128 = arith.constant 80 : index
      %swap3A_129 = tpu.vector_load %arg12[%swap3A_127, %swap3A_128] {strides = array<i32>} : memref<1x128xi32, #tpu.memory_space<vmem>>, vector<1x16xi32>,
      %swap3A_130 = vector.shape_cast %swap3A_129 : vector<1x16xi32> to vector<16xi32>
      %swap3A_131 = vector.shape_cast %get3A_125 : vector<16xi32> to vector<1x16xi32>
      tpu.vector_store %arg12[%swap3A_127, %swap3A_128], %swap3A_131 {strides = array<i32>} : memref<1x128xi32, #tpu.memory_space<vmem>>, vector<1x16xi32>,
      %add3A_132 = arith.constant 80 : i32
      %add3A_133 = arith.addi %min3A_12, %add3A_132 : i32
      %get3A_134 = arith.index_cast %add3A_133 : i32 to index
      %get3A_135 = tpu.vector_load %arg11[%get3A_134] {strides = array<i32>} : memref<10000xi32, #tpu.memory_space<vmem>>, vector<16xi32>,
      %get3A_136 = vector.shape_cast %get3A_135 : vector<16xi32> to vector<16xi32>
      %swap3A_137 = arith.constant 0 : i32
      %swap3A_138 = arith.index_cast %swap3A_137 : i32 to index
      %swap3A_139 = arith.constant 80 : index
      %swap3A_140 = tpu.vector_load %arg13[%swap3A_138, %swap3A_139] {strides = array<i32>} : memref<1x128xi32, #tpu.memory_space<vmem>>, vector<1x16xi32>,
      %swap3A_141 = vector.shape_cast %swap3A_140 : vector<1x16xi32> to vector<16xi32>
      %swap3A_142 = vector.shape_cast %get3A_136 : vector<16xi32> to vector<1x16xi32>
      tpu.vector_store %arg13[%swap3A_138, %swap3A_139], %swap3A_142 {strides = array<i32>} : memref<1x128xi32, #tpu.memory_space<vmem>>, vector<1x16xi32>,
      %add3A_143 = arith.constant 96 : i32
      %add3A_144 = arith.addi %min3A_12, %add3A_143 : i32
      %get3A_145 = arith.index_cast %add3A_144 : i32 to index
      %get3A_146 = tpu.vector_load %arg10[%get3A_145] {strides = array<i32>} : memref<10000xi32, #tpu.memory_space<vmem>>, vector<16xi32>,
      %get3A_147 = vector.shape_cast %get3A_146 : vector<16xi32> to vector<16xi32>
      %swap3A_148 = arith.constant 0 : i32
      %swap3A_149 = arith.index_cast %swap3A_148 : i32 to index
      %swap3A_150 = arith.constant 96 : index
      %swap3A_151 = tpu.vector_load %arg12[%swap3A_149, %swap3A_150] {strides = array<i32>} : memref<1x128xi32, #tpu.memory_space<vmem>>, vector<1x16xi32>,
      %swap3A_152 = vector.shape_cast %swap3A_151 : vector<1x16xi32> to vector<16xi32>
      %swap3A_153 = vector.shape_cast %get3A_147 : vector<16xi32> to vector<1x16xi32>
      tpu.vector_store %arg12[%swap3A_149, %swap3A_150], %swap3A_153 {strides = array<i32>} : memref<1x128xi32, #tpu.memory_space<vmem>>, vector<1x16xi32>,
      %add3A_154 = arith.constant 96 : i32
      %add3A_155 = arith.addi %min3A_12, %add3A_154 : i32
      %get3A_156 = arith.index_cast %add3A_155 : i32 to index
      %get3A_157 = tpu.vector_load %arg11[%get3A_156] {strides = array<i32>} : memref<10000xi32, #tpu.memory_space<vmem>>, vector<16xi32>,
      %get3A_158 = vector.shape_cast %get3A_157 : vector<16xi32> to vector<16xi32>
      %swap3A_159 = arith.constant 0 : i32
      %swap3A_160 = arith.index_cast %swap3A_159 : i32 to index
      %swap3A_161 = arith.constant 96 : index
      %swap3A_162 = tpu.vector_load %arg13[%swap3A_160, %swap3A_161] {strides = array<i32>} : memref<1x128xi32, #tpu.memory_space<vmem>>, vector<1x16xi32>,
      %swap3A_163 = vector.shape_cast %swap3A_162 : vector<1x16xi32> to vector<16xi32>
      %swap3A_164 = vector.shape_cast %get3A_158 : vector<16xi32> to vector<1x16xi32>
      tpu.vector_store %arg13[%swap3A_160, %swap3A_161], %swap3A_164 {strides = array<i32>} : memref<1x128xi32, #tpu.memory_space<vmem>>, vector<1x16xi32>,
      %add3A_165 = arith.constant 112 : i32
      %add3A_166 = arith.addi %min3A_12, %add3A_165 : i32
      %get3A_167 = arith.index_cast %add3A_166 : i32 to index
      %get3A_168 = tpu.vector_load %arg10[%get3A_167] {strides = array<i32>} : memref<10000xi32, #tpu.memory_space<vmem>>, vector<16xi32>,
      %get3A_169 = vector.shape_cast %get3A_168 : vector<16xi32> to vector<16xi32>
      %swap3A_170 = arith.constant 0 : i32
      %swap3A_171 = arith.index_cast %swap3A_170 : i32 to index
      %swap3A_172 = arith.constant 112 : index
      %swap3A_173 = tpu.vector_load %arg12[%swap3A_171, %swap3A_172] {strides = array<i32>} : memref<1x128xi32, #tpu.memory_space<vmem>>, vector<1x16xi32>,
      %swap3A_174 = vector.shape_cast %swap3A_173 : vector<1x16xi32> to vector<16xi32>
      %swap3A_175 = vector.shape_cast %get3A_169 : vector<16xi32> to vector<1x16xi32>
      tpu.vector_store %arg12[%swap3A_171, %swap3A_172], %swap3A_175 {strides = array<i32>} : memref<1x128xi32, #tpu.memory_space<vmem>>, vector<1x16xi32>,
      %add3A_176 = arith.constant 112 : i32
      %add3A_177 = arith.addi %min3A_12, %add3A_176 : i32
      %get3A_178 = arith.index_cast %add3A_177 : i32 to index
      %get3A_179 = tpu.vector_load %arg11[%get3A_178] {strides = array<i32>} : memref<10000xi32, #tpu.memory_space<vmem>>, vector<16xi32>,
      %get3A_180 = vector.shape_cast %get3A_179 : vector<16xi32> to vector<16xi32>
      %swap3A_181 = arith.constant 0 : i32
      %swap3A_182 = arith.index_cast %swap3A_181 : i32 to index
      %swap3A_183 = arith.constant 112 : index
      %swap3A_184 = tpu.vector_load %arg13[%swap3A_182, %swap3A_183] {strides = array<i32>} : memref<1x128xi32, #tpu.memory_space<vmem>>, vector<1x16xi32>,
      %swap3A_185 = vector.shape_cast %swap3A_184 : vector<1x16xi32> to vector<16xi32>
      %swap3A_186 = vector.shape_cast %get3A_180 : vector<16xi32> to vector<1x16xi32>
      tpu.vector_store %arg13[%swap3A_182, %swap3A_183], %swap3A_186 {strides = array<i32>} : memref<1x128xi32, #tpu.memory_space<vmem>>, vector<1x16xi32>,
      %dma_start3A = arith.constant 0 : i32
      %dma_start3A_187 = arith.constant 0 : i32
      %dma_start3A_188 = tpu.memref_slice %arg12[%dma_start3A, %dma_start3A_187] : memref<1x128xi32, #tpu.memory_space<vmem>> -> memref<1x128xi32, #tpu.memory_space<vmem>>
      %dma_start3A_189 = tpu.memref_squeeze %dma_start3A_188 : memref<1x128xi32, #tpu.memory_space<vmem>> -> memref<128xi32, #tpu.memory_space<vmem>>
      %dma_start3A_190 = arith.constant 0 : i32
      %dma_start3A_191 = arith.constant 0 : i32
      %dma_start3A_192 = tpu.memref_slice %arg2[%dma_start3A_190, %dma_start3A_191] : memref<10000x128xf32, #tpu.memory_space<hbm>> -> memref<10000x128xf32, #tpu.memory_space<hbm>>
      tpu.enqueue_indirect_dma source(%dma_start3A_192 : memref<10000x128xf32, #tpu.memory_space<hbm>>) target(%arg14 : memref<128x128xf32, #tpu.memory_space<vmem>>) offsets(%dma_start3A_189 : memref<128xi32, #tpu.memory_space<vmem>>) semaphore(%arg18 : memref<!tpu.dma_semaphore, #tpu.memory_space<semaphore_mem>>)
      %dma_start3A_193 = arith.constant 0 : i32
      %dma_start3A_194 = arith.constant 0 : i32
      %dma_start3A_195 = tpu.memref_slice %arg13[%dma_start3A_193, %dma_start3A_194] : memref<1x128xi32, #tpu.memory_space<vmem>> -> memref<1x128xi32, #tpu.memory_space<vmem>>
      %dma_start3A_196 = tpu.memref_squeeze %dma_start3A_195 : memref<1x128xi32, #tpu.memory_space<vmem>> -> memref<128xi32, #tpu.memory_space<vmem>>
      %dma_start3A_197 = arith.constant 0 : i32
      %dma_start3A_198 = arith.constant 0 : i32
      %dma_start3A_199 = tpu.memref_slice %arg3[%dma_start3A_197, %dma_start3A_198] : memref<10000x128xf32, #tpu.memory_space<hbm>> -> memref<10000x128xf32, #tpu.memory_space<hbm>>
      tpu.enqueue_indirect_dma source(%dma_start3A_199 : memref<10000x128xf32, #tpu.memory_space<hbm>>) target(%arg15 : memref<128x128xf32, #tpu.memory_space<vmem>>) offsets(%dma_start3A_196 : memref<128xi32, #tpu.memory_space<vmem>>) semaphore(%arg19 : memref<!tpu.dma_semaphore, #tpu.memory_space<semaphore_mem>>)
      %dma_start3A_200 = arith.constant 0 : i32
      %dma_start3A_201 = arith.constant 0 : i32
      %dma_start3A_202 = tpu.memref_slice %arg12[%dma_start3A_200, %dma_start3A_201] : memref<1x128xi32, #tpu.memory_space<vmem>> -> memref<1x128xi32, #tpu.memory_space<vmem>>
      %dma_start3A_203 = tpu.memref_squeeze %dma_start3A_202 : memref<1x128xi32, #tpu.memory_space<vmem>> -> memref<128xi32, #tpu.memory_space<vmem>>
      %dma_start3A_204 = arith.constant 0 : i32
      %dma_start3A_205 = arith.constant 0 : i32
      %dma_start3A_206 = tpu.memref_slice %arg4[%dma_start3A_204, %dma_start3A_205] : memref<10000x128xf32, #tpu.memory_space<hbm>> -> memref<10000x128xf32, #tpu.memory_space<hbm>>
      tpu.enqueue_indirect_dma source(%dma_start3A_206 : memref<10000x128xf32, #tpu.memory_space<hbm>>) target(%arg16 : memref<128x128xf32, #tpu.memory_space<vmem>>) offsets(%dma_start3A_203 : memref<128xi32, #tpu.memory_space<vmem>>) semaphore(%arg20 : memref<!tpu.dma_semaphore, #tpu.memory_space<semaphore_mem>>)
      %dma_start3A_207 = arith.constant 0 : i32
      %dma_start3A_208 = arith.constant 0 : i32
      %dma_start3A_209 = tpu.memref_slice %arg13[%dma_start3A_207, %dma_start3A_208] : memref<1x128xi32, #tpu.memory_space<vmem>> -> memref<1x128xi32, #tpu.memory_space<vmem>>
      %dma_start3A_210 = tpu.memref_squeeze %dma_start3A_209 : memref<1x128xi32, #tpu.memory_space<vmem>> -> memref<128xi32, #tpu.memory_space<vmem>>
      %dma_start3A_211 = arith.constant 0 : i32
      %dma_start3A_212 = arith.constant 0 : i32
      %dma_start3A_213 = tpu.memref_slice %arg4[%dma_start3A_211, %dma_start3A_212] : memref<10000x128xf32, #tpu.memory_space<hbm>> -> memref<10000x128xf32, #tpu.memory_space<hbm>>
      tpu.enqueue_indirect_dma source(%dma_start3A_213 : memref<10000x128xf32, #tpu.memory_space<hbm>>) target(%arg17 : memref<128x128xf32, #tpu.memory_space<vmem>>) offsets(%dma_start3A_210 : memref<128xi32, #tpu.memory_space<vmem>>) semaphore(%arg21 : memref<!tpu.dma_semaphore, #tpu.memory_space<semaphore_mem>>)
      %dma_wait3A = arith.constant 0 : i32
      %dma_wait3A_214 = arith.constant 0 : i32
      %dma_wait3A_215 = tpu.memref_slice %arg12[%dma_wait3A, %dma_wait3A_214] : memref<1x128xi32, #tpu.memory_space<vmem>> -> memref<1x128xi32, #tpu.memory_space<vmem>>
      %dma_wait3A_216 = tpu.memref_squeeze %dma_wait3A_215 : memref<1x128xi32, #tpu.memory_space<vmem>> -> memref<128xi32, #tpu.memory_space<vmem>>
      %dma_wait3A_217 = arith.constant 0 : i32
      %dma_wait3A_218 = arith.constant 0 : i32
      %dma_wait3A_219 = tpu.memref_slice %arg2[%dma_wait3A_217, %dma_wait3A_218] : memref<10000x128xf32, #tpu.memory_space<hbm>> -> memref<10000x128xf32, #tpu.memory_space<hbm>>
      tpu.wait_indirect_dma semaphore(%arg18 : memref<!tpu.dma_semaphore, #tpu.memory_space<semaphore_mem>>) src(%dma_wait3A_219 : memref<10000x128xf32, #tpu.memory_space<hbm>>) dst(%arg14 : memref<128x128xf32, #tpu.memory_space<vmem>>)
      %dma_wait3A_220 = arith.constant 0 : i32
      %dma_wait3A_221 = arith.constant 0 : i32
      %dma_wait3A_222 = tpu.memref_slice %arg13[%dma_wait3A_220, %dma_wait3A_221] : memref<1x128xi32, #tpu.memory_space<vmem>> -> memref<1x128xi32, #tpu.memory_space<vmem>>
      %dma_wait3A_223 = tpu.memref_squeeze %dma_wait3A_222 : memref<1x128xi32, #tpu.memory_space<vmem>> -> memref<128xi32, #tpu.memory_space<vmem>>
      %dma_wait3A_224 = arith.constant 0 : i32
      %dma_wait3A_225 = arith.constant 0 : i32
      %dma_wait3A_226 = tpu.memref_slice %arg3[%dma_wait3A_224, %dma_wait3A_225] : memref<10000x128xf32, #tpu.memory_space<hbm>> -> memref<10000x128xf32, #tpu.memory_space<hbm>>
      tpu.wait_indirect_dma semaphore(%arg19 : memref<!tpu.dma_semaphore, #tpu.memory_space<semaphore_mem>>) src(%dma_wait3A_226 : memref<10000x128xf32, #tpu.memory_space<hbm>>) dst(%arg15 : memref<128x128xf32, #tpu.memory_space<vmem>>)
      %dma_wait3A_227 = arith.constant 0 : i32
      %dma_wait3A_228 = arith.constant 0 : i32
      %dma_wait3A_229 = tpu.memref_slice %arg12[%dma_wait3A_227, %dma_wait3A_228] : memref<1x128xi32, #tpu.memory_space<vmem>> -> memref<1x128xi32, #tpu.memory_space<vmem>>
      %dma_wait3A_230 = tpu.memref_squeeze %dma_wait3A_229 : memref<1x128xi32, #tpu.memory_space<vmem>> -> memref<128xi32, #tpu.memory_space<vmem>>
      %dma_wait3A_231 = arith.constant 0 : i32
      %dma_wait3A_232 = arith.constant 0 : i32
      %dma_wait3A_233 = tpu.memref_slice %arg4[%dma_wait3A_231, %dma_wait3A_232] : memref<10000x128xf32, #tpu.memory_space<hbm>> -> memref<10000x128xf32, #tpu.memory_space<hbm>>
      tpu.wait_indirect_dma semaphore(%arg20 : memref<!tpu.dma_semaphore, #tpu.memory_space<semaphore_mem>>) src(%dma_wait3A_233 : memref<10000x128xf32, #tpu.memory_space<hbm>>) dst(%arg16 : memref<128x128xf32, #tpu.memory_space<vmem>>)
      %dma_wait3A_234 = arith.constant 0 : i32
      %dma_wait3A_235 = arith.constant 0 : i32
      %dma_wait3A_236 = tpu.memref_slice %arg13[%dma_wait3A_234, %dma_wait3A_235] : memref<1x128xi32, #tpu.memory_space<vmem>> -> memref<1x128xi32, #tpu.memory_space<vmem>>
      %dma_wait3A_237 = tpu.memref_squeeze %dma_wait3A_236 : memref<1x128xi32, #tpu.memory_space<vmem>> -> memref<128xi32, #tpu.memory_space<vmem>>
      %dma_wait3A_238 = arith.constant 0 : i32
      %dma_wait3A_239 = arith.constant 0 : i32
      %dma_wait3A_240 = tpu.memref_slice %arg4[%dma_wait3A_238, %dma_wait3A_239] : memref<10000x128xf32, #tpu.memory_space<hbm>> -> memref<10000x128xf32, #tpu.memory_space<hbm>>
      tpu.wait_indirect_dma semaphore(%arg21 : memref<!tpu.dma_semaphore, #tpu.memory_space<semaphore_mem>>) src(%dma_wait3A_240 : memref<10000x128xf32, #tpu.memory_space<hbm>>) dst(%arg17 : memref<128x128xf32, #tpu.memory_space<vmem>>)
      %add3A_241 = arith.addi %mul3A_2, %min3A_12 : i32
      %dma_start3A_242 = arith.constant 0 : i32
      %dma_start3A_243 = tpu.memref_slice %arg6[%add3A_241, %dma_start3A_242] : memref<320000x128xf32, #tpu.memory_space<hbm>> -> memref<128x128xf32, #tpu.memory_space<hbm>>
      %dma_start3A_244 = arith.constant 0 : i32
      %dma_start3A_245 = tpu.memref_slice %arg6[%add3A_241, %dma_start3A_244] : memref<320000x128xf32, #tpu.memory_space<hbm>> -> memref<128x128xf32, #tpu.memory_space<hbm>>
      tpu.enqueue_dma source(%arg14 : memref<128x128xf32, #tpu.memory_space<vmem>>) target(%dma_start3A_245 : memref<128x128xf32, #tpu.memory_space<hbm>>) target_semaphore(%arg18 : memref<!tpu.dma_semaphore, #tpu.memory_space<semaphore_mem>>)
      %add3A_246 = arith.addi %mul3A_2, %min3A_12 : i32
      %dma_start3A_247 = arith.constant 0 : i32
      %dma_start3A_248 = tpu.memref_slice %arg7[%add3A_246, %dma_start3A_247] : memref<320000x128xf32, #tpu.memory_space<hbm>> -> memref<128x128xf32, #tpu.memory_space<hbm>>
      %dma_start3A_249 = arith.constant 0 : i32
      %dma_start3A_250 = tpu.memref_slice %arg7[%add3A_246, %dma_start3A_249] : memref<320000x128xf32, #tpu.memory_space<hbm>> -> memref<128x128xf32, #tpu.memory_space<hbm>>
      tpu.enqueue_dma source(%arg15 : memref<128x128xf32, #tpu.memory_space<vmem>>) target(%dma_start3A_250 : memref<128x128xf32, #tpu.memory_space<hbm>>) target_semaphore(%arg19 : memref<!tpu.dma_semaphore, #tpu.memory_space<semaphore_mem>>)
      %add3A_251 = arith.addi %mul3A_2, %min3A_12 : i32
      %dma_start3A_252 = arith.constant 0 : i32
      %dma_start3A_253 = tpu.memref_slice %arg8[%add3A_251, %dma_start3A_252] : memref<320000x128xf32, #tpu.memory_space<hbm>> -> memref<128x128xf32, #tpu.memory_space<hbm>>
      %dma_start3A_254 = arith.constant 0 : i32
      %dma_start3A_255 = tpu.memref_slice %arg8[%add3A_251, %dma_start3A_254] : memref<320000x128xf32, #tpu.memory_space<hbm>> -> memref<128x128xf32, #tpu.memory_space<hbm>>
      tpu.enqueue_dma source(%arg16 : memref<128x128xf32, #tpu.memory_space<vmem>>) target(%dma_start3A_255 : memref<128x128xf32, #tpu.memory_space<hbm>>) target_semaphore(%arg20 : memref<!tpu.dma_semaphore, #tpu.memory_space<semaphore_mem>>)
      %add3A_256 = arith.addi %mul3A_2, %min3A_12 : i32
      %dma_start3A_257 = arith.constant 0 : i32
      %dma_start3A_258 = tpu.memref_slice %arg9[%add3A_256, %dma_start3A_257] : memref<320000x128xf32, #tpu.memory_space<hbm>> -> memref<128x128xf32, #tpu.memory_space<hbm>>
      %dma_start3A_259 = arith.constant 0 : i32
      %dma_start3A_260 = tpu.memref_slice %arg9[%add3A_256, %dma_start3A_259] : memref<320000x128xf32, #tpu.memory_space<hbm>> -> memref<128x128xf32, #tpu.memory_space<hbm>>
      tpu.enqueue_dma source(%arg17 : memref<128x128xf32, #tpu.memory_space<vmem>>) target(%dma_start3A_260 : memref<128x128xf32, #tpu.memory_space<hbm>>) target_semaphore(%arg21 : memref<!tpu.dma_semaphore, #tpu.memory_space<semaphore_mem>>)
      %dma_wait3A_261 = arith.constant 0 : i32
      %dma_wait3A_262 = tpu.memref_slice %arg6[%add3A_241, %dma_wait3A_261] : memref<320000x128xf32, #tpu.memory_space<hbm>> -> memref<128x128xf32, #tpu.memory_space<hbm>>
      %dma_wait3A_263 = arith.constant 0 : i32
      %dma_wait3A_264 = tpu.memref_slice %arg6[%add3A_241, %dma_wait3A_263] : memref<320000x128xf32, #tpu.memory_space<hbm>> -> memref<128x128xf32, #tpu.memory_space<hbm>>
      tpu.wait_dma2 semaphore(%arg18 : memref<!tpu.dma_semaphore, #tpu.memory_space<semaphore_mem>>) src(%arg14 : memref<128x128xf32, #tpu.memory_space<vmem>>) dst(%dma_wait3A_264 : memref<128x128xf32, #tpu.memory_space<hbm>>)
      %dma_wait3A_265 = arith.constant 0 : i32
      %dma_wait3A_266 = tpu.memref_slice %arg7[%add3A_246, %dma_wait3A_265] : memref<320000x128xf32, #tpu.memory_space<hbm>> -> memref<128x128xf32, #tpu.memory_space<hbm>>
      %dma_wait3A_267 = arith.constant 0 : i32
      %dma_wait3A_268 = tpu.memref_slice %arg7[%add3A_246, %dma_wait3A_267] : memref<320000x128xf32, #tpu.memory_space<hbm>> -> memref<128x128xf32, #tpu.memory_space<hbm>>
      tpu.wait_dma2 semaphore(%arg19 : memref<!tpu.dma_semaphore, #tpu.memory_space<semaphore_mem>>) src(%arg15 : memref<128x128xf32, #tpu.memory_space<vmem>>) dst(%dma_wait3A_268 : memref<128x128xf32, #tpu.memory_space<hbm>>)
      %dma_wait3A_269 = arith.constant 0 : i32
      %dma_wait3A_270 = tpu.memref_slice %arg8[%add3A_251, %dma_wait3A_269] : memref<320000x128xf32, #tpu.memory_space<hbm>> -> memref<128x128xf32, #tpu.memory_space<hbm>>
      %dma_wait3A_271 = arith.constant 0 : i32
      %dma_wait3A_272 = tpu.memref_slice %arg8[%add3A_251, %dma_wait3A_271] : memref<320000x128xf32, #tpu.memory_space<hbm>> -> memref<128x128xf32, #tpu.memory_space<hbm>>
      tpu.wait_dma2 semaphore(%arg20 : memref<!tpu.dma_semaphore, #tpu.memory_space<semaphore_mem>>) src(%arg16 : memref<128x128xf32, #tpu.memory_space<vmem>>) dst(%dma_wait3A_272 : memref<128x128xf32, #tpu.memory_space<hbm>>)
      %dma_wait3A_273 = arith.constant 0 : i32
      %dma_wait3A_274 = tpu.memref_slice %arg9[%add3A_256, %dma_wait3A_273] : memref<320000x128xf32, #tpu.memory_space<hbm>> -> memref<128x128xf32, #tpu.memory_space<hbm>>
      %dma_wait3A_275 = arith.constant 0 : i32
      %dma_wait3A_276 = tpu.memref_slice %arg9[%add3A_256, %dma_wait3A_275] : memref<320000x128xf32, #tpu.memory_space<hbm>> -> memref<128x128xf32, #tpu.memory_space<hbm>>
      tpu.wait_dma2 semaphore(%arg21 : memref<!tpu.dma_semaphore, #tpu.memory_space<semaphore_mem>>) src(%arg17 : memref<128x128xf32, #tpu.memory_space<vmem>>) dst(%dma_wait3A_276 : memref<128x128xf32, #tpu.memory_space<hbm>>)
    }
    %scan3A_8 = arith.constant 80 : i32
    return
  }
}

module attributes {stable_mosaic.version = 14 : i64} {
  func.func @_tc_pre_body(%arg0: i32, %arg1: memref<2000x128xf32, #tpu.memory_space<vmem>>, %arg2: memref<2000x3xf32, #tpu.memory_space<vmem>>, %arg3: memref<128x128xf32, #tpu.memory_space<vmem>>, %arg4: memref<128xf32, #tpu.memory_space<vmem>>, %arg5: memref<128x128xf32, #tpu.memory_space<vmem>>, %arg6: memref<128xf32, #tpu.memory_space<vmem>>, %arg7: memref<128x128xf32, #tpu.memory_space<vmem>>, %arg8: memref<128xf32, #tpu.memory_space<vmem>>, %arg9: memref<3x128xf32, #tpu.memory_space<vmem>>, %arg10: memref<2000x128xf32, #tpu.memory_space<vmem>>, %arg11: memref<2000x128xf32, #tpu.memory_space<vmem>>, %arg12: memref<2000x128xf32, #tpu.memory_space<vmem>>, %arg13: memref<2000x128xf32, #tpu.memory_space<vmem>>) attributes {dimension_semantics = [#tpu.dimension_semantics<arbitrary>], iteration_bounds = array<i64: 5>, scalar_prefetch = 0 : i64, scratch_operands = 0 : i64, tpu.core_type = #tpu.core_type<tc>, window_params = [{transform_indices = @transform_0, window_bounds = array<i64: 2000, 128>}, {transform_indices = @transform_1, window_bounds = array<i64: 2000, 3>}, {pipeline_mode = #tpu.pipeline_mode<synchronous>, transform_indices = @transform_2, window_bounds = array<i64: 128, 128>}, {pipeline_mode = #tpu.pipeline_mode<synchronous>, transform_indices = @transform_3, window_bounds = array<i64: 128>}, {pipeline_mode = #tpu.pipeline_mode<synchronous>, transform_indices = @transform_4, window_bounds = array<i64: 128, 128>}, {pipeline_mode = #tpu.pipeline_mode<synchronous>, transform_indices = @transform_5, window_bounds = array<i64: 128>}, {pipeline_mode = #tpu.pipeline_mode<synchronous>, transform_indices = @transform_6, window_bounds = array<i64: 128, 128>}, {pipeline_mode = #tpu.pipeline_mode<synchronous>, transform_indices = @transform_7, window_bounds = array<i64: 128>}, {pipeline_mode = #tpu.pipeline_mode<synchronous>, transform_indices = @transform_8, window_bounds = array<i64: 3, 128>}, {transform_indices = @transform_9, window_bounds = array<i64: 2000, 128>}, {transform_indices = @transform_10, window_bounds = array<i64: 2000, 128>}, {transform_indices = @transform_11, window_bounds = array<i64: 2000, 128>}, {transform_indices = @transform_12, window_bounds = array<i64: 2000, 128>}]} {
    %get3A = arith.constant 0 : index
    %get3A_0 = arith.constant 0 : index
    %get3A_1 = vector.load %arg1[%get3A, %get3A_0] : memref<2000x128xf32, #tpu.memory_space<vmem>>, vector<2000x128xf32>
    %get3A_2 = arith.constant 0 : index
    %get3A_3 = arith.constant 0 : index
    %get3A_4 = vector.load %arg3[%get3A_2, %get3A_3] : memref<128x128xf32, #tpu.memory_space<vmem>>, vector<128x128xf32>
    %dot_general3A = arith.constant dense<0.000000e+00> : vector<2000x128xf32>
    %dot_general3A_5 = tpu.matmul %get3A_1, %get3A_4, %dot_general3A {dimension_numbers = #tpu.dot_dimension_numbers<[1], [0], [0], [1], [0, 0, 1, 1], [], []>, transpose_lhs_hint = false} : vector<2000x128xf32>, vector<128x128xf32>, vector<2000x128xf32> -> vector<2000x128xf32>
    %get3A_6 = arith.constant 0 : index
    %get3A_7 = vector.load %arg4[%get3A_6] : memref<128xf32, #tpu.memory_space<vmem>>, vector<128xf32>
    %broadcast_in_dim3A = vector.shape_cast %get3A_7 : vector<128xf32> to vector<1x128xf32>
    %add3A = vector.broadcast %broadcast_in_dim3A : vector<1x128xf32> to vector<2000x128xf32>
    %add3A_8 = arith.addf %dot_general3A_5, %add3A : vector<2000x128xf32>
    %swap3A = arith.constant 0 : index
    %swap3A_9 = arith.constant 0 : index
    %swap3A_10 = vector.load %arg10[%swap3A, %swap3A_9] : memref<2000x128xf32, #tpu.memory_space<vmem>>, vector<2000x128xf32>
    tpu.vector_store %arg10[%swap3A, %swap3A_9], %add3A_8 {strides = array<i32>} : memref<2000x128xf32, #tpu.memory_space<vmem>>, vector<2000x128xf32>,
    %get3A_11 = arith.constant 0 : index
    %get3A_12 = arith.constant 0 : index
    %get3A_13 = vector.load %arg5[%get3A_11, %get3A_12] : memref<128x128xf32, #tpu.memory_space<vmem>>, vector<128x128xf32>
    %dot_general3A_14 = arith.constant dense<0.000000e+00> : vector<2000x128xf32>
    %dot_general3A_15 = tpu.matmul %get3A_1, %get3A_13, %dot_general3A_14 {dimension_numbers = #tpu.dot_dimension_numbers<[1], [0], [0], [1], [0, 0, 1, 1], [], []>, transpose_lhs_hint = false} : vector<2000x128xf32>, vector<128x128xf32>, vector<2000x128xf32> -> vector<2000x128xf32>
    %get3A_16 = arith.constant 0 : index
    %get3A_17 = vector.load %arg6[%get3A_16] : memref<128xf32, #tpu.memory_space<vmem>>, vector<128xf32>
    %broadcast_in_dim3A_18 = vector.shape_cast %get3A_17 : vector<128xf32> to vector<1x128xf32>
    %add3A_19 = vector.broadcast %broadcast_in_dim3A_18 : vector<1x128xf32> to vector<2000x128xf32>
    %add3A_20 = arith.addf %dot_general3A_15, %add3A_19 : vector<2000x128xf32>
    %swap3A_21 = arith.constant 0 : index
    %swap3A_22 = arith.constant 0 : index
    %swap3A_23 = vector.load %arg11[%swap3A_21, %swap3A_22] : memref<2000x128xf32, #tpu.memory_space<vmem>>, vector<2000x128xf32>
    tpu.vector_store %arg11[%swap3A_21, %swap3A_22], %add3A_20 {strides = array<i32>} : memref<2000x128xf32, #tpu.memory_space<vmem>>, vector<2000x128xf32>,
    %get3A_24 = arith.constant 0 : index
    %get3A_25 = arith.constant 0 : index
    %get3A_26 = vector.load %arg7[%get3A_24, %get3A_25] : memref<128x128xf32, #tpu.memory_space<vmem>>, vector<128x128xf32>
    %dot_general3A_27 = arith.constant dense<0.000000e+00> : vector<2000x128xf32>
    %dot_general3A_28 = tpu.matmul %get3A_1, %get3A_26, %dot_general3A_27 {dimension_numbers = #tpu.dot_dimension_numbers<[1], [0], [0], [1], [0, 0, 1, 1], [], []>, transpose_lhs_hint = false} : vector<2000x128xf32>, vector<128x128xf32>, vector<2000x128xf32> -> vector<2000x128xf32>
    %get3A_29 = arith.constant 0 : index
    %get3A_30 = vector.load %arg8[%get3A_29] : memref<128xf32, #tpu.memory_space<vmem>>, vector<128xf32>
    %broadcast_in_dim3A_31 = vector.shape_cast %get3A_30 : vector<128xf32> to vector<1x128xf32>
    %add3A_32 = vector.broadcast %broadcast_in_dim3A_31 : vector<1x128xf32> to vector<2000x128xf32>
    %add3A_33 = arith.addf %dot_general3A_28, %add3A_32 : vector<2000x128xf32>
    %swap3A_34 = arith.constant 0 : index
    %swap3A_35 = arith.constant 0 : index
    %swap3A_36 = vector.load %arg12[%swap3A_34, %swap3A_35] : memref<2000x128xf32, #tpu.memory_space<vmem>>, vector<2000x128xf32>
    tpu.vector_store %arg12[%swap3A_34, %swap3A_35], %add3A_33 {strides = array<i32>} : memref<2000x128xf32, #tpu.memory_space<vmem>>, vector<2000x128xf32>,
    %get3A_37 = arith.constant 0 : index
    %get3A_38 = arith.constant 0 : index
    %get3A_39 = vector.load %arg2[%get3A_37, %get3A_38] : memref<2000x3xf32, #tpu.memory_space<vmem>>, vector<2000x3xf32>
    %get3A_40 = arith.constant 0 : index
    %get3A_41 = arith.constant 0 : index
    %get3A_42 = vector.load %arg9[%get3A_40, %get3A_41] : memref<3x128xf32, #tpu.memory_space<vmem>>, vector<3x128xf32>
    %dot_general3A_43 = arith.constant dense<0.000000e+00> : vector<2000x128xf32>
    %dot_general3A_44 = tpu.matmul %get3A_39, %get3A_42, %dot_general3A_43 {dimension_numbers = #tpu.dot_dimension_numbers<[1], [0], [0], [1], [0, 0, 1, 1], [], []>, transpose_lhs_hint = false} : vector<2000x3xf32>, vector<3x128xf32>, vector<2000x128xf32> -> vector<2000x128xf32>
    %swap3A_45 = arith.constant 0 : index
    %swap3A_46 = arith.constant 0 : index
    %swap3A_47 = vector.load %arg13[%swap3A_45, %swap3A_46] : memref<2000x128xf32, #tpu.memory_space<vmem>>, vector<2000x128xf32>
    tpu.vector_store %arg13[%swap3A_45, %swap3A_46], %dot_general3A_44 {strides = array<i32>} : memref<2000x128xf32, #tpu.memory_space<vmem>>, vector<2000x128xf32>,
    return
  }
  func.func @transform_0(%arg0: i32) -> (i32, i32) {
    %c0_i32 = arith.constant 0 : i32
    %c0_i32_0 = arith.constant 0 : i32
    return %arg0, %c0_i32 : i32, i32
  }
  func.func @transform_1(%arg0: i32) -> (i32, i32) {
    %c0_i32 = arith.constant 0 : i32
    %c0_i32_0 = arith.constant 0 : i32
    return %arg0, %c0_i32 : i32, i32
  }
  func.func @transform_2(%arg0: i32) -> (i32, i32) {
    %c0_i32 = arith.constant 0 : i32
    %c0_i32_0 = arith.constant 0 : i32
    %c0_i32_1 = arith.constant 0 : i32
    return %c0_i32, %c0_i32_0 : i32, i32
  }
  func.func @transform_3(%arg0: i32) -> i32 {
    %c0_i32 = arith.constant 0 : i32
    %c0_i32_0 = arith.constant 0 : i32
    return %c0_i32 : i32
  }
  func.func @transform_4(%arg0: i32) -> (i32, i32) {
    %c0_i32 = arith.constant 0 : i32
    %c0_i32_0 = arith.constant 0 : i32
    %c0_i32_1 = arith.constant 0 : i32
    return %c0_i32, %c0_i32_0 : i32, i32
  }
  func.func @transform_5(%arg0: i32) -> i32 {
    %c0_i32 = arith.constant 0 : i32
    %c0_i32_0 = arith.constant 0 : i32
    return %c0_i32 : i32
  }
  func.func @transform_6(%arg0: i32) -> (i32, i32) {
    %c0_i32 = arith.constant 0 : i32
    %c0_i32_0 = arith.constant 0 : i32
    %c0_i32_1 = arith.constant 0 : i32
    return %c0_i32, %c0_i32_0 : i32, i32
  }
  func.func @transform_7(%arg0: i32) -> i32 {
    %c0_i32 = arith.constant 0 : i32
    %c0_i32_0 = arith.constant 0 : i32
    return %c0_i32 : i32
  }
  func.func @transform_8(%arg0: i32) -> (i32, i32) {
    %c0_i32 = arith.constant 0 : i32
    %c0_i32_0 = arith.constant 0 : i32
    %c0_i32_1 = arith.constant 0 : i32
    return %c0_i32, %c0_i32_0 : i32, i32
  }
  func.func @transform_9(%arg0: i32) -> (i32, i32) {
    %c0_i32 = arith.constant 0 : i32
    %c0_i32_0 = arith.constant 0 : i32
    return %arg0, %c0_i32 : i32, i32
  }
  func.func @transform_10(%arg0: i32) -> (i32, i32) {
    %c0_i32 = arith.constant 0 : i32
    %c0_i32_0 = arith.constant 0 : i32
    return %arg0, %c0_i32 : i32, i32
  }
  func.func @transform_11(%arg0: i32) -> (i32, i32) {
    %c0_i32 = arith.constant 0 : i32
    %c0_i32_0 = arith.constant 0 : i32
    return %arg0, %c0_i32 : i32, i32
  }
  func.func @transform_12(%arg0: i32) -> (i32, i32) {
    %c0_i32 = arith.constant 0 : i32
    %c0_i32_0 = arith.constant 0 : i32
    return %arg0, %c0_i32 : i32, i32
  }
}

module attributes {stable_mosaic.version = 14 : i64} {
  func.func @_tc_mid_body(%arg0: i32, %arg1: memref<2000x128xf32, #tpu.memory_space<vmem>>, %arg2: memref<2000x128xf32, #tpu.memory_space<vmem>>, %arg3: memref<2000x128xf32, #tpu.memory_space<vmem>>, %arg4: memref<2000x128xf32, #tpu.memory_space<vmem>>, %arg5: memref<128xf32, #tpu.memory_space<vmem>>, %arg6: memref<128x128xf32, #tpu.memory_space<vmem>>, %arg7: memref<128xf32, #tpu.memory_space<vmem>>, %arg8: memref<128xf32, #tpu.memory_space<vmem>>, %arg9: memref<128xf32, #tpu.memory_space<vmem>>, %arg10: memref<2000x128xf32, #tpu.memory_space<vmem>>) attributes {dimension_semantics = [#tpu.dimension_semantics<arbitrary>], iteration_bounds = array<i64: 160>, scalar_prefetch = 0 : i64, scratch_operands = 0 : i64, tpu.core_type = #tpu.core_type<tc>, window_params = [{transform_indices = @transform_0, window_bounds = array<i64: 2000, 128>}, {transform_indices = @transform_1, window_bounds = array<i64: 2000, 128>}, {transform_indices = @transform_2, window_bounds = array<i64: 2000, 128>}, {transform_indices = @transform_3, window_bounds = array<i64: 2000, 128>}, {pipeline_mode = #tpu.pipeline_mode<synchronous>, transform_indices = @transform_4, window_bounds = array<i64: 128>}, {pipeline_mode = #tpu.pipeline_mode<synchronous>, transform_indices = @transform_5, window_bounds = array<i64: 128, 128>}, {pipeline_mode = #tpu.pipeline_mode<synchronous>, transform_indices = @transform_6, window_bounds = array<i64: 128>}, {pipeline_mode = #tpu.pipeline_mode<synchronous>, transform_indices = @transform_7, window_bounds = array<i64: 128>}, {pipeline_mode = #tpu.pipeline_mode<synchronous>, transform_indices = @transform_8, window_bounds = array<i64: 128>}, {transform_indices = @transform_9, window_bounds = array<i64: 2000, 128>}]} {
    %get3A = arith.constant 0 : index
    %get3A_0 = arith.constant 0 : index
    %get3A_1 = vector.load %arg3[%get3A, %get3A_0] : memref<2000x128xf32, #tpu.memory_space<vmem>>, vector<2000x128xf32>
    %get3A_2 = arith.constant 0 : index
    %get3A_3 = arith.constant 0 : index
    %get3A_4 = vector.load %arg4[%get3A_2, %get3A_3] : memref<2000x128xf32, #tpu.memory_space<vmem>>, vector<2000x128xf32>
    %sub3A = arith.subf %get3A_1, %get3A_4 : vector<2000x128xf32>
    %get3A_5 = arith.constant 0 : index
    %get3A_6 = vector.load %arg5[%get3A_5] : memref<128xf32, #tpu.memory_space<vmem>>, vector<128xf32>
    %broadcast_in_dim3A = vector.shape_cast %get3A_6 : vector<128xf32> to vector<1x128xf32>
    %add3A = vector.broadcast %broadcast_in_dim3A : vector<1x128xf32> to vector<2000x128xf32>
    %add3A_7 = arith.addf %sub3A, %add3A : vector<2000x128xf32>
    %max3A = arith.constant 0.000000e+00 : f32
    %max3A_8 = vector.broadcast %max3A : f32 to vector<2000x128xf32>
    %max3A_9 = arith.maximumf %add3A_7, %max3A_8 : vector<2000x128xf32>
    %get3A_10 = arith.constant 0 : index
    %get3A_11 = arith.constant 0 : index
    %get3A_12 = vector.load %arg6[%get3A_10, %get3A_11] : memref<128x128xf32, #tpu.memory_space<vmem>>, vector<128x128xf32>
    %dot_general3A = arith.constant dense<0.000000e+00> : vector<2000x128xf32>
    %dot_general3A_13 = tpu.matmul %max3A_9, %get3A_12, %dot_general3A {dimension_numbers = #tpu.dot_dimension_numbers<[1], [0], [0], [1], [0, 0, 1, 1], [], []>, transpose_lhs_hint = false} : vector<2000x128xf32>, vector<128x128xf32>, vector<2000x128xf32> -> vector<2000x128xf32>
    %get3A_14 = arith.constant 0 : index
    %get3A_15 = vector.load %arg7[%get3A_14] : memref<128xf32, #tpu.memory_space<vmem>>, vector<128xf32>
    %broadcast_in_dim3A_16 = vector.shape_cast %get3A_15 : vector<128xf32> to vector<1x128xf32>
    %add3A_17 = vector.broadcast %broadcast_in_dim3A_16 : vector<1x128xf32> to vector<2000x128xf32>
    %add3A_18 = arith.addf %dot_general3A_13, %add3A_17 : vector<2000x128xf32>
    %get3A_19 = arith.constant 0 : index
    %get3A_20 = vector.load %arg8[%get3A_19] : memref<128xf32, #tpu.memory_space<vmem>>, vector<128xf32>
    %get3A_21 = arith.constant 0 : index
    %get3A_22 = vector.load %arg9[%get3A_21] : memref<128xf32, #tpu.memory_space<vmem>>, vector<128xf32>
    %reduce_sum3A = arith.constant dense<0.000000e+00> : vector<2000xf32>
    %reduce_sum3A_23 = vector.multi_reduction <add>, %add3A_18, %reduce_sum3A [1] : vector<2000x128xf32> to vector<2000xf32>
    %broadcast_in_dim3A_24 = vector.shape_cast %reduce_sum3A_23 : vector<2000xf32> to vector<2000x1xf32>
    %div3A = arith.constant 1.280000e+02 : f32
    %div3A_25 = vector.broadcast %div3A : f32 to vector<2000x1xf32>
    %div3A_26 = arith.divf %broadcast_in_dim3A_24, %div3A_25 : vector<2000x1xf32>
    %sub3A_27 = vector.broadcast %div3A_26 : vector<2000x1xf32> to vector<2000x128xf32>
    %sub3A_28 = arith.subf %add3A_18, %sub3A_27 : vector<2000x128xf32>
    %integer_pow3A = arith.mulf %sub3A_28, %sub3A_28 : vector<2000x128xf32>
    %reduce_sum3A_29 = arith.constant dense<0.000000e+00> : vector<2000xf32>
    %reduce_sum3A_30 = vector.multi_reduction <add>, %integer_pow3A, %reduce_sum3A_29 [1] : vector<2000x128xf32> to vector<2000xf32>
    %broadcast_in_dim3A_31 = vector.shape_cast %reduce_sum3A_30 : vector<2000xf32> to vector<2000x1xf32>
    %div3A_32 = arith.constant 1.280000e+02 : f32
    %div3A_33 = vector.broadcast %div3A_32 : f32 to vector<2000x1xf32>
    %div3A_34 = arith.divf %broadcast_in_dim3A_31, %div3A_33 : vector<2000x1xf32>
    %sub3A_35 = vector.broadcast %div3A_26 : vector<2000x1xf32> to vector<2000x128xf32>
    %sub3A_36 = arith.subf %add3A_18, %sub3A_35 : vector<2000x128xf32>
    %add3A_37 = arith.constant 9.99999974E-6 : f32
    %add3A_38 = vector.broadcast %add3A_37 : f32 to vector<2000x1xf32>
    %add3A_39 = arith.addf %div3A_34, %add3A_38 : vector<2000x1xf32>
    %rsqrt3A = math.rsqrt %add3A_39 : vector<2000x1xf32>
    %mul3A = vector.broadcast %rsqrt3A : vector<2000x1xf32> to vector<2000x128xf32>
    %mul3A_40 = arith.mulf %sub3A_36, %mul3A : vector<2000x128xf32>
    %broadcast_in_dim3A_41 = vector.shape_cast %get3A_20 : vector<128xf32> to vector<1x128xf32>
    %mul3A_42 = vector.broadcast %broadcast_in_dim3A_41 : vector<1x128xf32> to vector<2000x128xf32>
    %mul3A_43 = arith.mulf %mul3A_40, %mul3A_42 : vector<2000x128xf32>
    %broadcast_in_dim3A_44 = vector.shape_cast %get3A_22 : vector<128xf32> to vector<1x128xf32>
    %add3A_45 = vector.broadcast %broadcast_in_dim3A_44 : vector<1x128xf32> to vector<2000x128xf32>
    %add3A_46 = arith.addf %mul3A_43, %add3A_45 : vector<2000x128xf32>
    %get3A_47 = arith.constant 0 : index
    %get3A_48 = arith.constant 0 : index
    %get3A_49 = vector.load %arg1[%get3A_47, %get3A_48] : memref<2000x128xf32, #tpu.memory_space<vmem>>, vector<2000x128xf32>
    %get3A_50 = arith.constant 0 : index
    %get3A_51 = arith.constant 0 : index
    %get3A_52 = vector.load %arg2[%get3A_50, %get3A_51] : memref<2000x128xf32, #tpu.memory_space<vmem>>, vector<2000x128xf32>
    %add3A_53 = arith.addf %get3A_52, %add3A_46 : vector<2000x128xf32>
    %mul3A_54 = arith.mulf %get3A_49, %add3A_53 : vector<2000x128xf32>
    %mul3A_55 = arith.constant 2.500000e-01 : f32
    %mul3A_56 = vector.broadcast %mul3A_55 : f32 to vector<2000x128xf32>
    %mul3A_57 = arith.mulf %mul3A_54, %mul3A_56 : vector<2000x128xf32>
    %iota3A = tpu.iota {dimensions = array<i32: 0>} : vector<128x128xi32>
    %iota3A_58 = tpu.iota {dimensions = array<i32: 1>} : vector<128x128xi32>
    %jit3A = arith.constant 16 : i32
    %div3A_59 = vector.broadcast %jit3A : i32 to vector<128x128xi32>
    %div3A_60 = arith.divsi %iota3A, %div3A_59 : vector<128x128xi32>
    %sign3A = arith.constant 0 : i32
    %sign3A_61 = vector.broadcast %sign3A : i32 to vector<128x128xi32>
    %sign3A_62 = arith.cmpi sgt, %iota3A, %sign3A_61 : vector<128x128xi32>
    %sign3A_63 = arith.extui %sign3A_62 : vector<128x128xi1> to vector<128x128xi32>
    %sign3A_64 = arith.constant 0 : i32
    %sign3A_65 = vector.broadcast %sign3A_64 : i32 to vector<128x128xi32>
    %sign3A_66 = arith.cmpi slt, %iota3A, %sign3A_65 : vector<128x128xi32>
    %sign3A_67 = arith.extui %sign3A_66 : vector<128x128xi1> to vector<128x128xi32>
    %sign3A_68 = arith.subi %sign3A_63, %sign3A_67 : vector<128x128xi32>
    %sign3A_69 = arith.constant 0 : i32
    %sign3A_70 = arith.cmpi sgt, %jit3A, %sign3A_69 : i32
    %sign3A_71 = arith.extui %sign3A_70 : i1 to i32
    %sign3A_72 = arith.constant 0 : i32
    %sign3A_73 = arith.cmpi slt, %jit3A, %sign3A_72 : i32
    %sign3A_74 = arith.extui %sign3A_73 : i1 to i32
    %sign3A_75 = arith.subi %sign3A_71, %sign3A_74 : i32
    %ne3A = vector.broadcast %sign3A_75 : i32 to vector<128x128xi32>
    %ne3A_76 = arith.cmpi ne, %sign3A_68, %ne3A : vector<128x128xi32>
    %rem3A = vector.broadcast %jit3A : i32 to vector<128x128xi32>
    %rem3A_77 = arith.remsi %iota3A, %rem3A : vector<128x128xi32>
    %ne3A_78 = arith.constant 0 : i32
    %ne3A_79 = vector.broadcast %ne3A_78 : i32 to vector<128x128xi32>
    %ne3A_80 = arith.cmpi ne, %rem3A_77, %ne3A_79 : vector<128x128xi32>
    %and3A = arith.andi %ne3A_76, %ne3A_80 : vector<128x128xi1>
    %sub3A_81 = arith.constant 1 : i32
    %sub3A_82 = vector.broadcast %sub3A_81 : i32 to vector<128x128xi32>
    %sub3A_83 = arith.subi %div3A_60, %sub3A_82 : vector<128x128xi32>
    %select_n3A = arith.select %and3A, %sub3A_83, %div3A_60 : vector<128x128xi1>, vector<128x128xi32>
    %jit3A_84 = arith.constant 16 : i32
    %div3A_85 = vector.broadcast %jit3A_84 : i32 to vector<128x128xi32>
    %div3A_86 = arith.divsi %iota3A_58, %div3A_85 : vector<128x128xi32>
    %sign3A_87 = arith.constant 0 : i32
    %sign3A_88 = vector.broadcast %sign3A_87 : i32 to vector<128x128xi32>
    %sign3A_89 = arith.cmpi sgt, %iota3A_58, %sign3A_88 : vector<128x128xi32>
    %sign3A_90 = arith.extui %sign3A_89 : vector<128x128xi1> to vector<128x128xi32>
    %sign3A_91 = arith.constant 0 : i32
    %sign3A_92 = vector.broadcast %sign3A_91 : i32 to vector<128x128xi32>
    %sign3A_93 = arith.cmpi slt, %iota3A_58, %sign3A_92 : vector<128x128xi32>
    %sign3A_94 = arith.extui %sign3A_93 : vector<128x128xi1> to vector<128x128xi32>
    %sign3A_95 = arith.subi %sign3A_90, %sign3A_94 : vector<128x128xi32>
    %sign3A_96 = arith.constant 0 : i32
    %sign3A_97 = arith.cmpi sgt, %jit3A_84, %sign3A_96 : i32
    %sign3A_98 = arith.extui %sign3A_97 : i1 to i32
    %sign3A_99 = arith.constant 0 : i32
    %sign3A_100 = arith.cmpi slt, %jit3A_84, %sign3A_99 : i32
    %sign3A_101 = arith.extui %sign3A_100 : i1 to i32
    %sign3A_102 = arith.subi %sign3A_98, %sign3A_101 : i32
    %ne3A_103 = vector.broadcast %sign3A_102 : i32 to vector<128x128xi32>
    %ne3A_104 = arith.cmpi ne, %sign3A_95, %ne3A_103 : vector<128x128xi32>
    %rem3A_105 = vector.broadcast %jit3A_84 : i32 to vector<128x128xi32>
    %rem3A_106 = arith.remsi %iota3A_58, %rem3A_105 : vector<128x128xi32>
    %ne3A_107 = arith.constant 0 : i32
    %ne3A_108 = vector.broadcast %ne3A_107 : i32 to vector<128x128xi32>
    %ne3A_109 = arith.cmpi ne, %rem3A_106, %ne3A_108 : vector<128x128xi32>
    %and3A_110 = arith.andi %ne3A_104, %ne3A_109 : vector<128x128xi1>
    %sub3A_111 = arith.constant 1 : i32
    %sub3A_112 = vector.broadcast %sub3A_111 : i32 to vector<128x128xi32>
    %sub3A_113 = arith.subi %div3A_86, %sub3A_112 : vector<128x128xi32>
    %select_n3A_114 = arith.select %and3A_110, %sub3A_113, %div3A_86 : vector<128x128xi1>, vector<128x128xi32>
    %eq3A = arith.cmpi eq, %select_n3A, %select_n3A_114 : vector<128x128xi32>
    %jit3A_115 = arith.constant 1.000000e+00 : f32
    %jit3A_116 = arith.constant 0.000000e+00 : f32
    %broadcast_in_dim3A_117 = vector.broadcast %jit3A_115 : f32 to vector<128x128xf32>
    %broadcast_in_dim3A_118 = vector.broadcast %jit3A_116 : f32 to vector<128x128xf32>
    %select_n3A_119 = arith.select %eq3A, %broadcast_in_dim3A_117, %broadcast_in_dim3A_118 : vector<128x128xi1>, vector<128x128xf32>
    %dot_general3A_120 = arith.constant dense<0.000000e+00> : vector<2000x128xf32>
    %dot_general3A_121 = tpu.matmul %mul3A_57, %select_n3A_119, %dot_general3A_120 {dimension_numbers = #tpu.dot_dimension_numbers<[1], [0], [0], [1], [0, 0, 1, 1], [], []>, transpose_lhs_hint = false} : vector<2000x128xf32>, vector<128x128xf32>, vector<2000x128xf32> -> vector<2000x128xf32>
    %exp3A = math.exp %dot_general3A_121 : vector<2000x128xf32>
    %swap3A = arith.constant 0 : index
    %swap3A_122 = arith.constant 0 : index
    %swap3A_123 = vector.load %arg10[%swap3A, %swap3A_122] : memref<2000x128xf32, #tpu.memory_space<vmem>>, vector<2000x128xf32>
    tpu.vector_store %arg10[%swap3A, %swap3A_122], %exp3A {strides = array<i32>} : memref<2000x128xf32, #tpu.memory_space<vmem>>, vector<2000x128xf32>,
    return
  }
  func.func @transform_0(%arg0: i32) -> (i32, i32) {
    %c0_i32 = arith.constant 0 : i32
    %c0_i32_0 = arith.constant 0 : i32
    return %arg0, %c0_i32 : i32, i32
  }
  func.func @transform_1(%arg0: i32) -> (i32, i32) {
    %c0_i32 = arith.constant 0 : i32
    %c0_i32_0 = arith.constant 0 : i32
    return %arg0, %c0_i32 : i32, i32
  }
  func.func @transform_2(%arg0: i32) -> (i32, i32) {
    %c0_i32 = arith.constant 0 : i32
    %c0_i32_0 = arith.constant 0 : i32
    return %arg0, %c0_i32 : i32, i32
  }
  func.func @transform_3(%arg0: i32) -> (i32, i32) {
    %c0_i32 = arith.constant 0 : i32
    %c0_i32_0 = arith.constant 0 : i32
    return %arg0, %c0_i32 : i32, i32
  }
  func.func @transform_4(%arg0: i32) -> i32 {
    %c0_i32 = arith.constant 0 : i32
    %c0_i32_0 = arith.constant 0 : i32
    return %c0_i32 : i32
  }
  func.func @transform_5(%arg0: i32) -> (i32, i32) {
    %c0_i32 = arith.constant 0 : i32
    %c0_i32_0 = arith.constant 0 : i32
    %c0_i32_1 = arith.constant 0 : i32
    return %c0_i32, %c0_i32_0 : i32, i32
  }
  func.func @transform_6(%arg0: i32) -> i32 {
    %c0_i32 = arith.constant 0 : i32
    %c0_i32_0 = arith.constant 0 : i32
    return %c0_i32 : i32
  }
  func.func @transform_7(%arg0: i32) -> i32 {
    %c0_i32 = arith.constant 0 : i32
    %c0_i32_0 = arith.constant 0 : i32
    return %c0_i32 : i32
  }
  func.func @transform_8(%arg0: i32) -> i32 {
    %c0_i32 = arith.constant 0 : i32
    %c0_i32_0 = arith.constant 0 : i32
    return %c0_i32 : i32
  }
  func.func @transform_9(%arg0: i32) -> (i32, i32) {
    %c0_i32 = arith.constant 0 : i32
    %c0_i32_0 = arith.constant 0 : i32
    return %arg0, %c0_i32 : i32, i32
  }
}

module attributes {stable_mosaic.version = 14 : i64} {
  func.func @_tc_post_body(%arg0: i32, %arg1: memref<2x2000x144xf32, #tpu.memory_space<vmem>>, %arg2: memref<2000x128xf32, #tpu.memory_space<vmem>>, %arg3: memref<128x128xf32, #tpu.memory_space<vmem>>, %arg4: memref<128xf32, #tpu.memory_space<vmem>>, %arg5: memref<128xf32, #tpu.memory_space<vmem>>, %arg6: memref<128xf32, #tpu.memory_space<vmem>>, %arg7: memref<128x512xf32, #tpu.memory_space<vmem>>, %arg8: memref<512xf32, #tpu.memory_space<vmem>>, %arg9: memref<512x128xf32, #tpu.memory_space<vmem>>, %arg10: memref<128xf32, #tpu.memory_space<vmem>>, %arg11: memref<128xf32, #tpu.memory_space<vmem>>, %arg12: memref<128xf32, #tpu.memory_space<vmem>>, %arg13: memref<2000x128xf32, #tpu.memory_space<vmem>>) attributes {dimension_semantics = [#tpu.dimension_semantics<arbitrary>], iteration_bounds = array<i64: 5>, scalar_prefetch = 0 : i64, scratch_operands = 0 : i64, tpu.core_type = #tpu.core_type<tc>, window_params = [{transform_indices = @transform_0, window_bounds = array<i64: 2, 2000, 144>}, {transform_indices = @transform_1, window_bounds = array<i64: 2000, 128>}, {pipeline_mode = #tpu.pipeline_mode<synchronous>, transform_indices = @transform_2, window_bounds = array<i64: 128, 128>}, {pipeline_mode = #tpu.pipeline_mode<synchronous>, transform_indices = @transform_3, window_bounds = array<i64: 128>}, {pipeline_mode = #tpu.pipeline_mode<synchronous>, transform_indices = @transform_4, window_bounds = array<i64: 128>}, {pipeline_mode = #tpu.pipeline_mode<synchronous>, transform_indices = @transform_5, window_bounds = array<i64: 128>}, {pipeline_mode = #tpu.pipeline_mode<synchronous>, transform_indices = @transform_6, window_bounds = array<i64: 128, 512>}, {pipeline_mode = #tpu.pipeline_mode<synchronous>, transform_indices = @transform_7, window_bounds = array<i64: 512>}, {pipeline_mode = #tpu.pipeline_mode<synchronous>, transform_indices = @transform_8, window_bounds = array<i64: 512, 128>}, {pipeline_mode = #tpu.pipeline_mode<synchronous>, transform_indices = @transform_9, window_bounds = array<i64: 128>}, {pipeline_mode = #tpu.pipeline_mode<synchronous>, transform_indices = @transform_10, window_bounds = array<i64: 128>}, {pipeline_mode = #tpu.pipeline_mode<synchronous>, transform_indices = @transform_11, window_bounds = array<i64: 128>}, {transform_indices = @transform_12, window_bounds = array<i64: 2000, 128>}]} {
    %get3A = arith.constant 0 : index
    %get3A_0 = arith.constant 0 : index
    %get3A_1 = arith.constant 0 : index
    %get3A_2 = vector.load %arg1[%get3A, %get3A_0, %get3A_1] : memref<2x2000x144xf32, #tpu.memory_space<vmem>>, vector<1x2000x144xf32>
    %get3A_3 = vector.shape_cast %get3A_2 : vector<1x2000x144xf32> to vector<2000x144xf32>
    %get3A_4 = arith.constant 1 : index
    %get3A_5 = arith.constant 0 : index
    %get3A_6 = arith.constant 0 : index
    %get3A_7 = vector.load %arg1[%get3A_4, %get3A_5, %get3A_6] : memref<2x2000x144xf32, #tpu.memory_space<vmem>>, vector<1x2000x144xf32>
    %get3A_8 = vector.shape_cast %get3A_7 : vector<1x2000x144xf32> to vector<2000x144xf32>
    %add3A = arith.addf %get3A_3, %get3A_8 : vector<2000x144xf32>
    %slice3A = vector.extract_strided_slice %add3A {offsets = [0, 128], sizes = [2000, 8], strides = [1, 1]} : vector<2000x144xf32> to vector<2000x8xf32>
    %iota3A = tpu.iota {dimensions = array<i32: 0>} : vector<128x8xi32>
    %iota3A_9 = tpu.iota {dimensions = array<i32: 1>} : vector<128x8xi32>
    %jit3A = arith.constant 16 : i32
    %div3A = vector.broadcast %jit3A : i32 to vector<128x8xi32>
    %div3A_10 = arith.divsi %iota3A, %div3A : vector<128x8xi32>
    %sign3A = arith.constant 0 : i32
    %sign3A_11 = vector.broadcast %sign3A : i32 to vector<128x8xi32>
    %sign3A_12 = arith.cmpi sgt, %iota3A, %sign3A_11 : vector<128x8xi32>
    %sign3A_13 = arith.extui %sign3A_12 : vector<128x8xi1> to vector<128x8xi32>
    %sign3A_14 = arith.constant 0 : i32
    %sign3A_15 = vector.broadcast %sign3A_14 : i32 to vector<128x8xi32>
    %sign3A_16 = arith.cmpi slt, %iota3A, %sign3A_15 : vector<128x8xi32>
    %sign3A_17 = arith.extui %sign3A_16 : vector<128x8xi1> to vector<128x8xi32>
    %sign3A_18 = arith.subi %sign3A_13, %sign3A_17 : vector<128x8xi32>
    %sign3A_19 = arith.constant 0 : i32
    %sign3A_20 = arith.cmpi sgt, %jit3A, %sign3A_19 : i32
    %sign3A_21 = arith.extui %sign3A_20 : i1 to i32
    %sign3A_22 = arith.constant 0 : i32
    %sign3A_23 = arith.cmpi slt, %jit3A, %sign3A_22 : i32
    %sign3A_24 = arith.extui %sign3A_23 : i1 to i32
    %sign3A_25 = arith.subi %sign3A_21, %sign3A_24 : i32
    %ne3A = vector.broadcast %sign3A_25 : i32 to vector<128x8xi32>
    %ne3A_26 = arith.cmpi ne, %sign3A_18, %ne3A : vector<128x8xi32>
    %rem3A = vector.broadcast %jit3A : i32 to vector<128x8xi32>
    %rem3A_27 = arith.remsi %iota3A, %rem3A : vector<128x8xi32>
    %ne3A_28 = arith.constant 0 : i32
    %ne3A_29 = vector.broadcast %ne3A_28 : i32 to vector<128x8xi32>
    %ne3A_30 = arith.cmpi ne, %rem3A_27, %ne3A_29 : vector<128x8xi32>
    %and3A = arith.andi %ne3A_26, %ne3A_30 : vector<128x8xi1>
    %sub3A = arith.constant 1 : i32
    %sub3A_31 = vector.broadcast %sub3A : i32 to vector<128x8xi32>
    %sub3A_32 = arith.subi %div3A_10, %sub3A_31 : vector<128x8xi32>
    %select_n3A = arith.select %and3A, %sub3A_32, %div3A_10 : vector<128x8xi1>, vector<128x8xi32>
    %eq3A = arith.cmpi eq, %select_n3A, %iota3A_9 : vector<128x8xi32>
    %jit3A_33 = arith.constant 1.000000e+00 : f32
    %jit3A_34 = arith.constant 0.000000e+00 : f32
    %broadcast_in_dim3A = vector.broadcast %jit3A_33 : f32 to vector<128x8xf32>
    %broadcast_in_dim3A_35 = vector.broadcast %jit3A_34 : f32 to vector<128x8xf32>
    %select_n3A_36 = arith.select %eq3A, %broadcast_in_dim3A, %broadcast_in_dim3A_35 : vector<128x8xi1>, vector<128x8xf32>
    %transpose3A = tpu.transpose %select_n3A_36, [1, 0] : vector<128x8xf32> -> vector<8x128xf32>
    %dot_general3A = arith.constant dense<0.000000e+00> : vector<2000x128xf32>
    %dot_general3A_37 = tpu.matmul %slice3A, %transpose3A, %dot_general3A {dimension_numbers = #tpu.dot_dimension_numbers<[1], [0], [0], [1], [0, 0, 1, 1], [], []>, transpose_lhs_hint = false} : vector<2000x8xf32>, vector<8x128xf32>, vector<2000x128xf32> -> vector<2000x128xf32>
    %slice3A_38 = vector.extract_strided_slice %add3A {offsets = [0, 0], sizes = [2000, 128], strides = [1, 1]} : vector<2000x144xf32> to vector<2000x128xf32>
    %add3A_39 = arith.constant 1.000000e-16 : f32
    %add3A_40 = vector.broadcast %add3A_39 : f32 to vector<2000x128xf32>
    %add3A_41 = arith.addf %dot_general3A_37, %add3A_40 : vector<2000x128xf32>
    %div3A_42 = arith.divf %slice3A_38, %add3A_41 : vector<2000x128xf32>
    %get3A_43 = arith.constant 0 : index
    %get3A_44 = arith.constant 0 : index
    %get3A_45 = vector.load %arg3[%get3A_43, %get3A_44] : memref<128x128xf32, #tpu.memory_space<vmem>>, vector<128x128xf32>
    %dot_general3A_46 = arith.constant dense<0.000000e+00> : vector<2000x128xf32>
    %dot_general3A_47 = tpu.matmul %div3A_42, %get3A_45, %dot_general3A_46 {dimension_numbers = #tpu.dot_dimension_numbers<[1], [0], [0], [1], [0, 0, 1, 1], [], []>, transpose_lhs_hint = false} : vector<2000x128xf32>, vector<128x128xf32>, vector<2000x128xf32> -> vector<2000x128xf32>
    %get3A_48 = arith.constant 0 : index
    %get3A_49 = vector.load %arg4[%get3A_48] : memref<128xf32, #tpu.memory_space<vmem>>, vector<128xf32>
    %broadcast_in_dim3A_50 = vector.shape_cast %get3A_49 : vector<128xf32> to vector<1x128xf32>
    %add3A_51 = vector.broadcast %broadcast_in_dim3A_50 : vector<1x128xf32> to vector<2000x128xf32>
    %add3A_52 = arith.addf %dot_general3A_47, %add3A_51 : vector<2000x128xf32>
    %get3A_53 = arith.constant 0 : index
    %get3A_54 = arith.constant 0 : index
    %get3A_55 = vector.load %arg2[%get3A_53, %get3A_54] : memref<2000x128xf32, #tpu.memory_space<vmem>>, vector<2000x128xf32>
    %add3A_56 = arith.addf %add3A_52, %get3A_55 : vector<2000x128xf32>
    %get3A_57 = arith.constant 0 : index
    %get3A_58 = vector.load %arg5[%get3A_57] : memref<128xf32, #tpu.memory_space<vmem>>, vector<128xf32>
    %get3A_59 = arith.constant 0 : index
    %get3A_60 = vector.load %arg6[%get3A_59] : memref<128xf32, #tpu.memory_space<vmem>>, vector<128xf32>
    %reduce_sum3A = arith.constant dense<0.000000e+00> : vector<2000xf32>
    %reduce_sum3A_61 = vector.multi_reduction <add>, %add3A_56, %reduce_sum3A [1] : vector<2000x128xf32> to vector<2000xf32>
    %broadcast_in_dim3A_62 = vector.shape_cast %reduce_sum3A_61 : vector<2000xf32> to vector<2000x1xf32>
    %div3A_63 = arith.constant 1.280000e+02 : f32
    %div3A_64 = vector.broadcast %div3A_63 : f32 to vector<2000x1xf32>
    %div3A_65 = arith.divf %broadcast_in_dim3A_62, %div3A_64 : vector<2000x1xf32>
    %sub3A_66 = vector.broadcast %div3A_65 : vector<2000x1xf32> to vector<2000x128xf32>
    %sub3A_67 = arith.subf %add3A_56, %sub3A_66 : vector<2000x128xf32>
    %integer_pow3A = arith.mulf %sub3A_67, %sub3A_67 : vector<2000x128xf32>
    %reduce_sum3A_68 = arith.constant dense<0.000000e+00> : vector<2000xf32>
    %reduce_sum3A_69 = vector.multi_reduction <add>, %integer_pow3A, %reduce_sum3A_68 [1] : vector<2000x128xf32> to vector<2000xf32>
    %broadcast_in_dim3A_70 = vector.shape_cast %reduce_sum3A_69 : vector<2000xf32> to vector<2000x1xf32>
    %div3A_71 = arith.constant 1.280000e+02 : f32
    %div3A_72 = vector.broadcast %div3A_71 : f32 to vector<2000x1xf32>
    %div3A_73 = arith.divf %broadcast_in_dim3A_70, %div3A_72 : vector<2000x1xf32>
    %sub3A_74 = vector.broadcast %div3A_65 : vector<2000x1xf32> to vector<2000x128xf32>
    %sub3A_75 = arith.subf %add3A_56, %sub3A_74 : vector<2000x128xf32>
    %add3A_76 = arith.constant 9.99999974E-6 : f32
    %add3A_77 = vector.broadcast %add3A_76 : f32 to vector<2000x1xf32>
    %add3A_78 = arith.addf %div3A_73, %add3A_77 : vector<2000x1xf32>
    %rsqrt3A = math.rsqrt %add3A_78 : vector<2000x1xf32>
    %mul3A = vector.broadcast %rsqrt3A : vector<2000x1xf32> to vector<2000x128xf32>
    %mul3A_79 = arith.mulf %sub3A_75, %mul3A : vector<2000x128xf32>
    %broadcast_in_dim3A_80 = vector.shape_cast %get3A_58 : vector<128xf32> to vector<1x128xf32>
    %mul3A_81 = vector.broadcast %broadcast_in_dim3A_80 : vector<1x128xf32> to vector<2000x128xf32>
    %mul3A_82 = arith.mulf %mul3A_79, %mul3A_81 : vector<2000x128xf32>
    %broadcast_in_dim3A_83 = vector.shape_cast %get3A_60 : vector<128xf32> to vector<1x128xf32>
    %add3A_84 = vector.broadcast %broadcast_in_dim3A_83 : vector<1x128xf32> to vector<2000x128xf32>
    %add3A_85 = arith.addf %mul3A_82, %add3A_84 : vector<2000x128xf32>
    %get3A_86 = arith.constant 0 : index
    %get3A_87 = arith.constant 0 : index
    %get3A_88 = vector.load %arg7[%get3A_86, %get3A_87] : memref<128x512xf32, #tpu.memory_space<vmem>>, vector<128x512xf32>
    %dot_general3A_89 = arith.constant dense<0.000000e+00> : vector<2000x512xf32>
    %dot_general3A_90 = tpu.matmul %add3A_85, %get3A_88, %dot_general3A_89 {dimension_numbers = #tpu.dot_dimension_numbers<[1], [0], [0], [1], [0, 0, 1, 1], [], []>, transpose_lhs_hint = false} : vector<2000x128xf32>, vector<128x512xf32>, vector<2000x512xf32> -> vector<2000x512xf32>
    %get3A_91 = arith.constant 0 : index
    %get3A_92 = vector.load %arg8[%get3A_91] : memref<512xf32, #tpu.memory_space<vmem>>, vector<512xf32>
    %broadcast_in_dim3A_93 = vector.shape_cast %get3A_92 : vector<512xf32> to vector<1x512xf32>
    %add3A_94 = vector.broadcast %broadcast_in_dim3A_93 : vector<1x512xf32> to vector<2000x512xf32>
    %add3A_95 = arith.addf %dot_general3A_90, %add3A_94 : vector<2000x512xf32>
    %max3A = arith.constant 0.000000e+00 : f32
    %max3A_96 = vector.broadcast %max3A : f32 to vector<2000x512xf32>
    %max3A_97 = arith.maximumf %add3A_95, %max3A_96 : vector<2000x512xf32>
    %get3A_98 = arith.constant 0 : index
    %get3A_99 = arith.constant 0 : index
    %get3A_100 = vector.load %arg9[%get3A_98, %get3A_99] : memref<512x128xf32, #tpu.memory_space<vmem>>, vector<512x128xf32>
    %dot_general3A_101 = arith.constant dense<0.000000e+00> : vector<2000x128xf32>
    %dot_general3A_102 = tpu.matmul %max3A_97, %get3A_100, %dot_general3A_101 {dimension_numbers = #tpu.dot_dimension_numbers<[1], [0], [0], [1], [0, 0, 1, 1], [], []>, transpose_lhs_hint = false} : vector<2000x512xf32>, vector<512x128xf32>, vector<2000x128xf32> -> vector<2000x128xf32>
    %get3A_103 = arith.constant 0 : index
    %get3A_104 = vector.load %arg10[%get3A_103] : memref<128xf32, #tpu.memory_space<vmem>>, vector<128xf32>
    %broadcast_in_dim3A_105 = vector.shape_cast %get3A_104 : vector<128xf32> to vector<1x128xf32>
    %add3A_106 = vector.broadcast %broadcast_in_dim3A_105 : vector<1x128xf32> to vector<2000x128xf32>
    %add3A_107 = arith.addf %dot_general3A_102, %add3A_106 : vector<2000x128xf32>
    %add3A_108 = arith.addf %add3A_107, %add3A_85 : vector<2000x128xf32>
    %get3A_109 = arith.constant 0 : index
    %get3A_110 = vector.load %arg11[%get3A_109] : memref<128xf32, #tpu.memory_space<vmem>>, vector<128xf32>
    %get3A_111 = arith.constant 0 : index
    %get3A_112 = vector.load %arg12[%get3A_111] : memref<128xf32, #tpu.memory_space<vmem>>, vector<128xf32>
    %reduce_sum3A_113 = arith.constant dense<0.000000e+00> : vector<2000xf32>
    %reduce_sum3A_114 = vector.multi_reduction <add>, %add3A_108, %reduce_sum3A_113 [1] : vector<2000x128xf32> to vector<2000xf32>
    %broadcast_in_dim3A_115 = vector.shape_cast %reduce_sum3A_114 : vector<2000xf32> to vector<2000x1xf32>
    %div3A_116 = arith.constant 1.280000e+02 : f32
    %div3A_117 = vector.broadcast %div3A_116 : f32 to vector<2000x1xf32>
    %div3A_118 = arith.divf %broadcast_in_dim3A_115, %div3A_117 : vector<2000x1xf32>
    %sub3A_119 = vector.broadcast %div3A_118 : vector<2000x1xf32> to vector<2000x128xf32>
    %sub3A_120 = arith.subf %add3A_108, %sub3A_119 : vector<2000x128xf32>
    %integer_pow3A_121 = arith.mulf %sub3A_120, %sub3A_120 : vector<2000x128xf32>
    %reduce_sum3A_122 = arith.constant dense<0.000000e+00> : vector<2000xf32>
    %reduce_sum3A_123 = vector.multi_reduction <add>, %integer_pow3A_121, %reduce_sum3A_122 [1] : vector<2000x128xf32> to vector<2000xf32>
    %broadcast_in_dim3A_124 = vector.shape_cast %reduce_sum3A_123 : vector<2000xf32> to vector<2000x1xf32>
    %div3A_125 = arith.constant 1.280000e+02 : f32
    %div3A_126 = vector.broadcast %div3A_125 : f32 to vector<2000x1xf32>
    %div3A_127 = arith.divf %broadcast_in_dim3A_124, %div3A_126 : vector<2000x1xf32>
    %sub3A_128 = vector.broadcast %div3A_118 : vector<2000x1xf32> to vector<2000x128xf32>
    %sub3A_129 = arith.subf %add3A_108, %sub3A_128 : vector<2000x128xf32>
    %add3A_130 = arith.constant 9.99999974E-6 : f32
    %add3A_131 = vector.broadcast %add3A_130 : f32 to vector<2000x1xf32>
    %add3A_132 = arith.addf %div3A_127, %add3A_131 : vector<2000x1xf32>
    %rsqrt3A_133 = math.rsqrt %add3A_132 : vector<2000x1xf32>
    %mul3A_134 = vector.broadcast %rsqrt3A_133 : vector<2000x1xf32> to vector<2000x128xf32>
    %mul3A_135 = arith.mulf %sub3A_129, %mul3A_134 : vector<2000x128xf32>
    %broadcast_in_dim3A_136 = vector.shape_cast %get3A_110 : vector<128xf32> to vector<1x128xf32>
    %mul3A_137 = vector.broadcast %broadcast_in_dim3A_136 : vector<1x128xf32> to vector<2000x128xf32>
    %mul3A_138 = arith.mulf %mul3A_135, %mul3A_137 : vector<2000x128xf32>
    %broadcast_in_dim3A_139 = vector.shape_cast %get3A_112 : vector<128xf32> to vector<1x128xf32>
    %add3A_140 = vector.broadcast %broadcast_in_dim3A_139 : vector<1x128xf32> to vector<2000x128xf32>
    %add3A_141 = arith.addf %mul3A_138, %add3A_140 : vector<2000x128xf32>
    %swap3A = arith.constant 0 : index
    %swap3A_142 = arith.constant 0 : index
    %swap3A_143 = vector.load %arg13[%swap3A, %swap3A_142] : memref<2000x128xf32, #tpu.memory_space<vmem>>, vector<2000x128xf32>
    tpu.vector_store %arg13[%swap3A, %swap3A_142], %add3A_141 {strides = array<i32>} : memref<2000x128xf32, #tpu.memory_space<vmem>>, vector<2000x128xf32>,
    return
  }
  func.func @transform_0(%arg0: i32) -> (i32, i32, i32) {
    %c0_i32 = arith.constant 0 : i32
    %c0_i32_0 = arith.constant 0 : i32
    %c0_i32_1 = arith.constant 0 : i32
    return %c0_i32, %arg0, %c0_i32_0 : i32, i32, i32
  }
  func.func @transform_1(%arg0: i32) -> (i32, i32) {
    %c0_i32 = arith.constant 0 : i32
    %c0_i32_0 = arith.constant 0 : i32
    return %arg0, %c0_i32 : i32, i32
  }
  func.func @transform_2(%arg0: i32) -> (i32, i32) {
    %c0_i32 = arith.constant 0 : i32
    %c0_i32_0 = arith.constant 0 : i32
    %c0_i32_1 = arith.constant 0 : i32
    return %c0_i32, %c0_i32_0 : i32, i32
  }
  func.func @transform_3(%arg0: i32) -> i32 {
    %c0_i32 = arith.constant 0 : i32
    %c0_i32_0 = arith.constant 0 : i32
    return %c0_i32 : i32
  }
  func.func @transform_4(%arg0: i32) -> i32 {
    %c0_i32 = arith.constant 0 : i32
    %c0_i32_0 = arith.constant 0 : i32
    return %c0_i32 : i32
  }
  func.func @transform_5(%arg0: i32) -> i32 {
    %c0_i32 = arith.constant 0 : i32
    %c0_i32_0 = arith.constant 0 : i32
    return %c0_i32 : i32
  }
  func.func @transform_6(%arg0: i32) -> (i32, i32) {
    %c0_i32 = arith.constant 0 : i32
    %c0_i32_0 = arith.constant 0 : i32
    %c0_i32_1 = arith.constant 0 : i32
    return %c0_i32, %c0_i32_0 : i32, i32
  }
  func.func @transform_7(%arg0: i32) -> i32 {
    %c0_i32 = arith.constant 0 : i32
    %c0_i32_0 = arith.constant 0 : i32
    return %c0_i32 : i32
  }
  func.func @transform_8(%arg0: i32) -> (i32, i32) {
    %c0_i32 = arith.constant 0 : i32
    %c0_i32_0 = arith.constant 0 : i32
    %c0_i32_1 = arith.constant 0 : i32
    return %c0_i32, %c0_i32_0 : i32, i32
  }
  func.func @transform_9(%arg0: i32) -> i32 {
    %c0_i32 = arith.constant 0 : i32
    %c0_i32_0 = arith.constant 0 : i32
    return %c0_i32 : i32
  }
  func.func @transform_10(%arg0: i32) -> i32 {
    %c0_i32 = arith.constant 0 : i32
    %c0_i32_0 = arith.constant 0 : i32
    return %c0_i32 : i32
  }
  func.func @transform_11(%arg0: i32) -> i32 {
    %c0_i32 = arith.constant 0 : i32
    %c0_i32_0 = arith.constant 0 : i32
    return %c0_i32 : i32
  }
  func.func @transform_12(%arg0: i32) -> (i32, i32) {
    %c0_i32 = arith.constant 0 : i32
    %c0_i32_0 = arith.constant 0 : i32
    return %arg0, %c0_i32 : i32, i32
  }
}

</mosaic_0001>

<sc_bundles>
// kernel: kernel.10.cloned.1.call-start
scs
__scs_entry_jumppad:
0x0: {  	(pc) =	sbr.rel $0x88, $3  }
0x1: {  	(tag) =	ssettag $0x0;
	lr =	simm.s32 $0x1  }
0x2: {  	[smem:$0x3F88] =	sst lr;
	_ =	strace $0xD0000000  }
0x3: {  	_ = 	snop  }
0x4: {  	_ = 	snop  }
0x5: {  	_ = 	snop  }
0x6: {  	_ = 	snop  }
0x7: {  	_ = 	snop  }
__scs_overlays_trampoline_lowered:
0x8: {  	[smem:$0x3F97] =	sst s0  }
0x9: {  	[smem:$0x3F98] =	sst s1  }
0xa: {  	[smem:$0x3F99] =	sst s2  }
0xb: {  	[smem:$0x3F9A] =	sst s3  }
0xc: {  	[smem:$0x3F9B] =	sst s4  }
0xd: {  	[smem:$0x3F9C] =	sst s5  }
0xe: {  	[smem:$0x3F9D] =	sst s6  }
0xf: {  	[smem:$0x3F9E] =	sst s7  }
0x10: {  	[smem:$0x3F9F] =	sst s8  }
0x11: {  	[smem:$0x3FA0] =	sst s9;
	s0 =	simm.s32 @!p0 $0x0  }
0x12: {  	s1 =	sld [smem:$0x3F86];
	s0 =	simm.s32 @p0 $0x1  }
0x13: {  	[smem:$0x3FA1] =	sst s0;
	s0 =	simm.s32 @!p1 $0x0  }
0x14: {  	s2 =	sld [smem:$0x3F85];
	s0 =	simm.s32 @p1 $0x1  }
0x15: {  	[smem:$0x3FA2] =	sst s0;
	s0 =	simm.s32 @!p2 $0x0  }
0x16: {  	s3 =	sld [smem:$0x3FDB];
	s0 =	simm.s32 @p2 $0x1  }
0x17: {  	s4 =	simm.s32 $0x1BF5;
	[smem:$0x3FA4] =	sst s0  }
0x18: {  	s0 =	sld [smem:$0x3F87];
	_ =	swait.ge [sflag:s4], $0x0  }
0x19: {  	s7 =	sld [smem:$0x3F88]  }
0x1a: {  	s8 =	sadd.s32 $0xFFFFE003, lr  }
0x1b: {  	s9 =	sadd.s32 $0xFFFFFEF7, lr;
	s5 =	simm.s32 $0xFFFFFFFF;
	p2 =	slt.u32 s8, $0xFFFFF086  }
0x1c: {  	p1 =	slt.u32 s9, $0xF7A;
	s5 =	simm.s32 @!p2 $0x0  }
0x1d: {  	s5 =	simm.s32 @p1 $0x1;
	p0 =	seq.s32 s7, s2  }
0x1e: {  	s7 =	smul.u32 @!p0 $0xF7A, s2;
	p2 =	seq.s32 @!p0 s5, $0x0  }
0x1f: {  	s9 =	smul.u32 $0xF7A, s1;
	s8 =	simm.s32 @!p0 $0x1BF5;
	p2 =	por !p2, p0  }
0x20: {  	[sflag:s8] =	ssyncset.s32 @!p0 $0xFFFFF086;
	s6 =	sadd.s32 @!p0 s3, s7;
	s7 =	simm.s32 @!p0 $0x108  }
0x21: {  	s3 =	sadd.s32 s3, s9;
	s6 =	sadd.s32 @!p0 $0x88, s6;
	s7 =	simm.s32 @p2 $0x1082  }
0x22: {  	[simem:s7], [sflag:s8] =	dma.local @!p0 [hbm:s6], $0xF7A  }
0x23: {  	s9 =	sor.u32 $0xD0000000, s2;
	s6 =	simm.s32 $0x108;
	_ =	swait.ge @!p0 [sflag:s8], $0x0  }
0x24: {  	s3 =	sadd.s32 $0x88, s3;
	s6 =	simm.s32 @!p1 $0x1082;
	[sflag:s4] =	ssyncset.s32 $0xFFFFF086  }
0x25: {  	[simem:s6], [sflag:s4] =	dma.local [hbm:s3], $0xF7A  }
0x26: {  	[smem:$0x3F88] =	sst s1;
	(tag) =	ssettag s2;
	_ =	strace s9  }
0x27: {  	s1 =	sld [smem:$0x3F98]  }
0x28: {  	s2 =	sld [smem:$0x3F99]  }
0x29: {  	s4 =	sld [smem:$0x3F9B]  }
0x2a: {  	p0 =	seq.s32 s5, $0x0;
	s5 =	sld [smem:$0x3F9C]  }
0x2b: {  	s6 =	sld [smem:$0x3F9D]  }
0x2c: {  	s7 =	sld [smem:$0x3F9E]  }
0x2d: {  	s3 =	simm.s32 $0x108;
	s8 =	sld [smem:$0x3F9F]  }
0x2e: {  	s3 =	simm.s32 @!p0 $0x1082;
	s9 =	sld [smem:$0x3FA0]  }
0x2f: {  	lr =	sadd.s32 s0, s3;
	s0 =	sld [smem:$0x3F97]  }
0x30: {  	s3 =	sld [smem:$0x3F9A]  }
0x31: {  	[smem:$0x3FA3] =	sst s10  }
0x32: {  	s10 =	sld [smem:$0x3FA1];
	_ =	sdelay $0x3  }
0x33: {  	p0 =	seq.s32 s10, $0x1;
	s10 =	sld [smem:$0x3FA3];
	_ =	sdelay $0x3  }
0x34: {  	[smem:$0x3FA3] =	sst s10  }
0x35: {  	s10 =	sld [smem:$0x3FA2];
	_ =	sdelay $0x3  }
0x36: {  	p1 =	seq.s32 s10, $0x1;
	s10 =	sld [smem:$0x3FA3];
	_ =	sdelay $0x3  }
0x37: {  	[smem:$0x3FA3] =	sst s10  }
0x38: {  	s10 =	sld [smem:$0x3FA4]  }
0x39: {  	_ = 	snop;
	(pc) =	sbr.ind lr, $3  }
0x3a: {  	_ = 	snop  }
0x3b: {  	_ = 	snop  }
0x3c: {  	p2 =	seq.s32 s10, $0x1;
	s10 =	sld [smem:$0x3FA3]  }
0x3d: {  	_ =	shalt  }
0x3e: {  	_ =	shalt  }
0x3f: {  	_ =	shalt  }
0x40: {  	_ =	shalt  }
0x41: {  	_ =	shalt  }
0x42: {  	_ =	shalt  }
0x43: {  	_ =	shalt  }
0x44: {  	_ =	shalt  }
0x45: {  	_ =	shalt  }
0x46: {  	_ =	shalt  }
0x47: {  	_ =	shalt  }
0x48: {  	_ =	shalt  }
0x49: {  	_ =	shalt  }
0x4a: {  	_ =	shalt  }
0x4b: {  	_ =	shalt  }
0x4c: {  	_ =	shalt  }
0x4d: {  	_ =	shalt  }
0x4e: {  	_ =	shalt  }
0x4f: {  	_ =	shalt  }
0x50: {  	_ =	shalt  }
0x51: {  	_ =	shalt  }
0x52: {  	_ =	shalt  }
0x53: {  	_ =	shalt  }
0x54: {  	_ =	shalt  }
0x55: {  	_ =	shalt  }
0x56: {  	_ =	shalt  }
0x57: {  	_ =	shalt  }
0x58: {  	_ =	shalt  }
0x59: {  	_ =	shalt  }
0x5a: {  	_ =	shalt  }
0x5b: {  	_ =	shalt  }
0x5c: {  	_ =	shalt  }
0x5d: {  	_ =	shalt  }
0x5e: {  	_ =	shalt  }
0x5f: {  	_ =	shalt  }
0x60: {  	_ =	shalt  }
0x61: {  	_ =	shalt  }
0x62: {  	_ =	shalt  }
0x63: {  	_ =	shalt  }
0x64: {  	_ =	shalt  }
0x65: {  	_ =	shalt  }
0x66: {  	_ =	shalt  }
0x67: {  	_ =	shalt  }
0x68: {  	_ =	shalt  }
0x69: {  	_ =	shalt  }
0x6a: {  	_ =	shalt  }
0x6b: {  	_ =	shalt  }
0x6c: {  	_ =	shalt  }
0x6d: {  	_ =	shalt  }
0x6e: {  	_ =	shalt  }
0x6f: {  	_ =	shalt  }
0x70: {  	_ =	shalt  }
0x71: {  	_ =	shalt  }
0x72: {  	_ =	shalt  }
0x73: {  	_ =	shalt  }
0x74: {  	_ =	shalt  }
0x75: {  	_ =	shalt  }
0x76: {  	_ =	shalt  }
0x77: {  	_ =	shalt  }
0x78: {  	_ =	shalt  }
0x79: {  	_ =	shalt  }
0x7a: {  	_ =	shalt  }
0x7b: {  	_ =	shalt  }
0x7c: {  	_ =	shalt  }
0x7d: {  	_ =	shalt  }
0x7e: {  	_ =	shalt  }
0x7f: {  	_ =	shalt  }
0x80: {  	_ =	shalt  }
0x81: {  	_ =	shalt  }
0x82: {  	_ =	shalt  }
0x83: {  	_ =	shalt  }
0x84: {  	_ =	shalt  }
0x85: {  	_ =	shalt  }
0x86: {  	_ =	shalt  }
0x87: {  	_ =	shalt  }
.Lfunc_end0:
.L_simem_size_0:
called_computation.1_lowered:
.L_overlay_start_0:
0x88: {  	s2 =	sld [smem:$0x3FD9]  }
0x89: {  	s3 =	sld [smem:$0x3FFE];
	_ =	sdelay $0x1  }
0x8a: {  	s1 =	srdreg.scid  }
0x8b: {  	s0 =	sand.u32 $0x1, s1  }
0x8c: {  	s17 =	sshll.u32 s0, $0xA;
	s2 =	sadd.s32 s3, s2  }
0x8d: {  	s2 =	sadd.s32 s2, s17  }
0x8e: {  	[smem:$0x3FAF] =	sst s2  }
0x8f: {  	_ = 	snop  }
0x90: {  	s2 =	sld [smem:$0x3FD0];
	(tm) =	ssettm $0x1  }
0x91: {  	s18 =	sld [smem:$0x3FFB];
	_ =	sdelay $0x3  }
0x92: {  	_ =	strace s18  }
0x93: {  	s3 =	sld [smem:$0x3FFC];
	_ =	sdelay $0x3  }
0x94: {  	_ =	strace s3  }
0x95: {  	s3 =	sld [smem:$0x3FFD];
	_ =	sdelay $0x3  }
0x96: {  	_ =	strace s3  }
0x97: {  	_ =	strace $0x8FFFFFFF  }
0x98: {  	s19 =	sld [smem:$0x3FDB];
	_ =	sdelay $0x1  }
0x99: {  	s4 =	simm.s32 $_scs_section_size  }
0x9a: {  	s5 =	simm.s32 $_size__tile_overlayer_lowered;
	s6 =	simm.s32 $_tile_overlayer_lowered  }
0x9b: {  	s22 =	simm.s32 $0x1BFF;
	s21 =	sshll.u32 s6, $0x1;
	s3 =	sadd.s32 s4, s19  }
0x9c: {  	s7 =	simm.s32 $0x0;
	s20 =	sshll.u32 s5, $0x1;
	s5 =	sadd.s32 s21, s3  }
0x9d: {  	[timem:s7], [sflag:s22] =	dma.local [hbm:s5], s20  }
0x9e: {  	_ =	swait.ge [sflag:s22], s20  }
0x9f: {  	s4 =	ssub.s32 $0x0, s20;
	[sflag:s22] =	ssyncset.done $0x0  }
0xa0: {  	[sflag:s22] =	ssyncadd.s32 s4;
	_ =	sdelay $0x1  }
0xa1: {  	s23 =	simm.s32 $0x1B8B  }
0xa2: {  	_ =	swait.ge [sflag:s23], $0x1  }
0xa3: {  	[sflag:s23] =	ssyncset.done $0x0  }
0xa4: {  	s25 =	simm.s32 $0x1B8E;
	s24 =	sld [smem:$0x3FFE];
	[sflag:s23] =	ssyncadd.s32 $0xFFFFFFFF  }
0xa5: {  	s26 =	simm.s32 $execute0_lowered;
	[smem:$0x3FD2] =	sst s25  }
0xa6: {  	s5 =	sshll.u32 s26, $0x1;
	_ =	strace $0x80000049;
	[dreg:$0x1] =	wrdreg $0xFFFFFFFF  }
0xa7: {  	s28 =	simm.s32 $_size_execute0_lowered;
	s3 =	sadd.s32 s3, s5;
	[dreg:$0x0] =	wrdreg $0x0  }
0xa8: {  	s5 =	sshll.u32 s28, $0x1;
	[dreg:$0x2] =	wrdreg s3  }
0xa9: {  	[dreg:$0x3] =	wrdreg s5  }
0xaa: {  	[dreg:$0x4] =	wrdreg $0xC0  }
0xab: {  	_ =	task [dreg:s7], $0x5FFFF  }
0xac: {  	[dreg:$0x1] =	wrdreg $0xFFFFFFFF  }
0xad: {  	[dreg:$0x0] =	wrdreg $0x60  }
0xae: {  	[dreg:$0x2] =	wrdreg s2  }
0xaf: {  	[dreg:$0x3] =	wrdreg s24  }
0xb0: {  	[dreg:$0x4] =	wrdreg $0x9E400  }
0xb1: {  	[dreg:$0x5] =	wrdreg $0x9  }
0xb2: {  	_ =	task.clear_ibuf [dreg:s7], $0x6FFFF;
	_ =	strace $0x90000049  }
0xb3: {  	s29 =	simm.s32 $0x9;
	_ =	strace $0x8000004B  }
0xb4: {  	_ =	swait.ge [sflag:s29], $0x1  }
0xb5: {  	[sflag:s29] =	ssyncadd.s32 $0xFFFFFFFF  }
0xb6: {  	_ =	strace $0x9000004B  }
0xb7: {  	_ =	sfence  }
0xb8: {  	s30 =	sld [smem:$0x0];
	_ =	sdelay $0x2  }
0xb9: {  	s31 =	sshll.u32 s1, $0xD;
	s1 =	sshrl.u32 s1, $0x2  }
0xba: {  	s3 =	sand.u32 $0x4000, s31;
	s1 =	sadd.s32 s1, s30  }
0xbb: {  	s0 =	sor.u32 s3, s0;
	s1 =	sshll.u32 s1, $0x11  }
0xbc: {  	s0 =	sor.u32 s1, s0  }
0xbd: {  	s0 =	sadd.s32 $0x8F2B, s0  }
0xbe: {  	[sflag:s0] =	ssyncadd.remote.s32 $0x1  }
0xbf: {  	_ =	sfence.sel $0xFFFF  }
0xc0: {  	[dreg:$0x0] =	wrdreg $0xFFFFFFFF;
	(pc) =	sbr.abs _section_cstart, $3  }
0xc1: {  	[dreg:$0x1] =	wrdreg $0xFFFFFFFF  }
0xc2: {  	_ =	task.clear_ibuf [dreg:s7], $0x2FFFF;
	_ =	strace $0x9FFFFFFF  }
0xc3: {  	(tm) =	ssettm $0x7FFFFFFF  }
tec
execute0_lowered:
.L_overlay_start_1:
0x0: {  	(tag) =	ssettag $0x1  }
0x1: {  	s1 =	rddreg [dreg:$0x0]  }
0x2: {  	s7 =	rddreg [dreg:$0x1]  }
0x3: {  	s3 =	rddreg [dreg:$0x2]  }
0x4: {  	s4 =	simm.s32 $0x0;
	s2 =	stileid.u32;
	s5 =	srdreg.scid  }
0x5: {  	s15 =	simm.s32 $0x60;
	s16 =	simm.s32 $0x780;
	s17 =	simm.s32 $0x840  }
0x6: {  	s18 =	simm.s32 $0x3840;
	s19 =	simm.s32 $0x1;
	s20 =	simm.s32 $0x2  }
0x7: {  	s21 =	simm.s32 $0x7E0;
	s22 =	simm.s32 $0x6840;
	[smem:$0x7FF] =	sst s4  }
0x8: {  	s8 =	smul.u32 $0x15F90, s2;
	s9 =	sand.u32 $0x1, s5;
	s5 =	sadd.s32 $0x4600, s7  }
0x9: {  	s6 =	sadd.s32 $0x1415600, s7;
	s14 =	sshll.u32 s2, $0x1;
	s31 =	sshll.u32 s2, $0x6  }
0xa: {  	_ =	strace $0x8000004A;
	s10 =	smul.u32 $0x15F900, s9;
	s12 =	ssub.s32 $0x2, s9  }
0xb: {  	s29 =	sor.u32 s9, s14;
	s9 =	sor.u32 $0x1C03, s31;
	s14 =	simm.s32 $0x3C0  }
.Ltmp0:
0xc: {  	s11 =	sshrl.u32 s8, $0x3;
	s13 =	sshrl.u32 s12, $0x1;
	(pc) =	sbr.rel .LBB2_1-.Ltmp0, $4  }
0xd: {  	s30 =	sadd.s32 s8, s3;
	s11 =	sadd.s32 s11, s7;
	s10 =	sadd.s32 s8, s10  }
0xe: {  	vm0 =	vmmov $0x1;
	vm1 =	vcmask $0x308;
	s12 =	ssub.s32 s12, s13;
	s13 =	simm.s32 $0x3;
	s10 =	sshrl.u32 s10, $0x3  }
0xf: {  	vm2 =	vcmask $0x70C;
	vm3 =	vcmask $0xB10;
	vm4 =	vcmask $0xF14;
	s8 =	sadd.s32 $0x18000, s11;
	s11 =	smax.u32 s12, $0x1;
	s10 =	sadd.s32 s10, s7  }
0x10: {  	vm5 =	vcmask $0x1318;
	vm6 =	vcmask $0x171C;
	vm7 =	vcmask $0x1B20;
	s12 =	sshrl.u32 s30, $0x3;
	s7 =	smul.u32 $0x2710, s29;
	s10 =	sadd.s32 $0x44000, s10  }
.LBB2_9:
0x11: {  	s4 =	sadd.s32 $0x1, s4  }
0x12: {  	p0 =	sne.s32 s4, s11  }
.Ltmp1:
0x13: {  	[bflag:$0x0] =	sbarrier.arrive $0xFFFF;
	(pc) =	sbr.rel @!p0 .LBB2_10-.Ltmp1, $4  }
0x14: {  	[hbm:s10], [sflag:s9] =	dma.local [spmem:s12], $0x2BF2  }
0x15: {  	_ =	swait.ge [sflag:s13], $0x2BF2  }
0x16: {  	[sflag:s13] =	ssyncset.done $0x0  }
0x17: {  	[sflag:s13] =	ssyncadd.s32 $0xFFFFD40E  }
.LBB2_1:
0x18: {  	[spmem:s12], [sflag:s9] =	dma.local [hbm:s8], $0x2BF2  }
.Ltmp2:
0x19: {  	_ =	swait.ge [sflag:s13], $0x2BF2;
	(pc) =	sbr.rel .LBB2_2-.Ltmp2, $4  }
0x1a: {  	[sflag:s13] =	ssyncset.done $0x0  }
0x1b: {  	[sflag:s13] =	ssyncadd.s32 $0xFFFFD40E  }
0x1c: {  	[bflag:$0x0] =	sbarrier.arrive $0xFFFF  }
0x1d: {  	s23 =	simm.s32 $0x0  }
.LBB2_8:
0x1e: {  	s23 =	sadd.s32 $0x1, s23  }
0x1f: {  	p0 =	sne.s32 s23, $0xB  }
.Ltmp3:
0x20: {  	_ = 	snop;
	(pc) =	sbr.rel @!p0 .LBB2_9-.Ltmp3, $1  }
0x21: {  	_ =	sdelay $0x3  }
.LBB2_2:
0x22: {  	s24 =	smul.u32 $0x3C0, s23;
	_ =	sdelay $0x1  }
0x23: {  	s24 =	smin.u32 s24, $0x2350  }
0x24: {  	s25 =	sadd.s32 s7, s24  }
0x25: {  	s25 =	sshrl.u32 s25, $0x3  }
0x26: {  	s26 =	sadd.s32 s5, s25;
	s25 =	simm.s32 $0x0  }
0x27: {  	[tilespmem:s25], [sflag:$0x3] =	stream.linear.gather [hbm4b:s26+s25], $0x3C0, $0x38;
	[tilespmem:$0x1FDD0] =	vst v63  }
0x28: {  	_ =	swait.ge [sflag:s13], $0x3C0  }
0x29: {  	[sflag:s13] =	ssyncset.done $0x0  }
.Ltmp4:
0x2a: {  	s26 =	sadd.s32 $0x9C40, s26;
	[sflag:s13] =	ssyncadd.s32 $0xFFFFFC40;
	(pc) =	sbr.rel .LBB2_3-.Ltmp4, $4  }
0x2b: {  	[tilespmem:s14], [sflag:$0x3] =	stream.linear.gather [hbm4b:s26+s25], $0x3C0, $0x38;
	[tilespmem:$0x1FDD0] =	vst v63  }
0x2c: {  	_ =	swait.ge [sflag:s13], $0x3C0  }
0x2d: {  	[sflag:s13] =	ssyncset.done $0x0  }
0x2e: {  	s26 =	smul.u32 $0xA, s23;
	[sflag:s13] =	ssyncadd.s32 $0xFFFFFC40  }
.LBB2_6:
0x2f: {  	[tilespmem:s30+$0x40] =	vst v0  }
0x30: {  	[spmem:s3] =	stream.indirect.scatter.add.f32 [tilespmem:s22], [sflag:$0x3], $0x90, s21, s15, $0xb8;
	[tilespmem:$0x1FDD0] =	vst v63  }
0x31: {  	_ =	swait.ge [sflag:s13], $0x3600  }
0x32: {  	[sflag:s13] =	ssyncset.done $0x0  }
0x33: {  	[sflag:s13] =	ssyncadd.s32 $0xFFFFCA00  }
.LBB2_7:
0x34: {  	s25 =	sadd.s32 $0x1, s25  }
0x35: {  	p0 =	sne.s32 s25, $0xA  }
.Ltmp5:
0x36: {  	_ = 	snop;
	(pc) =	sbr.rel @!p0 .LBB2_8-.Ltmp5, $1  }
0x37: {  	_ =	sdelay $0x3  }
.LBB2_3:
0x38: {  	_ = 	snop  }
0x39: {  	s30 =	sadd.s32 s26, s25  }
0x3a: {  	p0 =	sgt.u32 s30, $0x68  }
.Ltmp6:
0x3b: {  	_ = 	snop;
	(pc) =	sbr.rel @p0 .LBB2_7-.Ltmp6, $1  }
0x3c: {  	_ =	sdelay $0x3  }
0x3d: {  	s28 =	smul.u32 $0x60, s30;
	_ =	sdelay $0x1  }
0x3e: {  	s28 =	smin.u32 s28, $0x26B0  }
0x3f: {  	s29 =	ssub.s32 s28, s24  }
0x40: {  	v0 =	vld [tilespmem:s29+$0x0];
	_ =	sdelay $0x4  }
0x41: {  	[tilespmem:$0x780] =	vst v0  }
0x42: {  	v0 =	vld [tilespmem:s29+$0x3C0];
	_ =	sdelay $0x4  }
0x43: {  	[tilespmem:$0x7E0] =	vst v0  }
0x44: {  	v0 =	vld [tilespmem:s29+$0x10];
	_ =	sdelay $0x4  }
0x45: {  	[tilespmem:$0x790] =	vst v0  }
0x46: {  	v0 =	vld [tilespmem:s29+$0x3D0];
	_ =	sdelay $0x4  }
0x47: {  	[tilespmem:$0x7F0] =	vst v0  }
0x48: {  	v0 =	vld [tilespmem:s29+$0x20];
	_ =	sdelay $0x4  }
0x49: {  	[tilespmem:$0x7A0] =	vst v0  }
0x4a: {  	v0 =	vld [tilespmem:s29+$0x3E0];
	_ =	sdelay $0x4  }
0x4b: {  	[tilespmem:$0x800] =	vst v0  }
0x4c: {  	v0 =	vld [tilespmem:s29+$0x30];
	_ =	sdelay $0x4  }
0x4d: {  	[tilespmem:$0x7B0] =	vst v0  }
0x4e: {  	v0 =	vld [tilespmem:s29+$0x3F0];
	_ =	sdelay $0x4  }
0x4f: {  	[tilespmem:$0x810] =	vst v0  }
0x50: {  	v0 =	vld [tilespmem:s29+$0x40];
	_ =	sdelay $0x4  }
0x51: {  	[tilespmem:$0x7C0] =	vst v0  }
0x52: {  	v0 =	vld [tilespmem:s29+$0x400];
	_ =	sdelay $0x4  }
0x53: {  	[tilespmem:$0x820] =	vst v0  }
0x54: {  	v0 =	vld [tilespmem:s29+$0x50];
	_ =	sdelay $0x4  }
0x55: {  	[tilespmem:$0x7D0] =	vst v0  }
0x56: {  	v0 =	vld [tilespmem:s29+$0x410];
	_ =	sdelay $0x2  }
0x57: {  	s28 =	sadd.s32 s7, s28  }
0x58: {  	s28 =	sshll.u32 s28, $0x4  }
0x59: {  	s28 =	sand.u32 $0xFFFF00, s28;
	[tilespmem:$0x830] =	vst v0  }
0x5a: {  	[tilespmem:s17], [sflag:$0x1] =	stream.indirect.gather [hbm4b:s1+s15], $0x80, s16, s15, $0xb8;
	[tilespmem:$0x1FDD0] =	vst v63  }
0x5b: {  	s28 =	sadd.s32 s6, s28;
	s29 =	simm.s32 $0x0  }
0x5c: {  	[tilespmem:s18], [sflag:$0x2] =	stream.linear.gather [hbm4b:s28+s29], $0x3000, $0x38;
	[tilespmem:$0x1FDD0] =	vst v63  }
0x5d: {  	_ =	swait.ge [sflag:s19], $0x3000  }
0x5e: {  	[sflag:s19] =	ssyncset.done $0x0  }
0x5f: {  	[sflag:s19] =	ssyncadd.s32 $0xFFFFD000  }
0x60: {  	_ =	swait.ge [sflag:s20], $0x3000  }
0x61: {  	[sflag:s20] =	ssyncset.done $0x0  }
0x62: {  	s28 =	simm.s32 $0x3880;
	[sflag:s20] =	ssyncadd.s32 $0xFFFFD000  }
0x63: {  	s29 =	simm.s32 $0x880;
	v0 =	vld [tilespmem:s28+$0xFFFFFFC0]  }
0x64: {  	v1 =	vld [tilespmem:s29+$0xFFFFFFC0]  }
0x65: {  	p0 =	seq.s32 s30, $0x68;
	p1 =	por $0x1, $0x1  }
0x66: {  	p1 =	por !p0, !p1  }
0x67: {  	p1 =	por !p1, !p1  }
0x68: {  	v0 =	vpsel p1, $0x0, v0  }
0x69: {  	v1 =	vmul.f32 v0, v1  }
0x6a: {  	s30 =	simm.s32 $0x6880  }
0x6b: {  	[tilespmem:s30+$0xFFFFFFC0] =	vst v1  }
0x6c: {  	v1 =	vld [tilespmem:s28+$0xFFFFFFD0]  }
0x6d: {  	v2 =	vld [tilespmem:s29+$0xFFFFFFD0];
	_ =	sdelay $0x3  }
0x6e: {  	v1 =	vpsel p1, $0x0, v1  }
0x6f: {  	v2 =	vmul.f32 v1, v2;
	_ =	sdelay $0x1  }
0x70: {  	[tilespmem:s30+$0xFFFFFFD0] =	vst v2  }
0x71: {  	v2 =	vld [tilespmem:s28+$0xFFFFFFE0]  }
0x72: {  	v3 =	vld [tilespmem:s29+$0xFFFFFFE0];
	_ =	sdelay $0x3  }
0x73: {  	v2 =	vpsel p1, $0x0, v2  }
0x74: {  	v3 =	vmul.f32 v2, v3;
	_ =	sdelay $0x1  }
0x75: {  	[tilespmem:s30+$0xFFFFFFE0] =	vst v3  }
0x76: {  	v3 =	vld [tilespmem:s28+$0xFFFFFFF0]  }
0x77: {  	v4 =	vld [tilespmem:s29+$0xFFFFFFF0];
	_ =	sdelay $0x3  }
0x78: {  	v3 =	vpsel p1, $0x0, v3  }
0x79: {  	v4 =	vmul.f32 v3, v4;
	_ =	sdelay $0x1  }
0x7a: {  	[tilespmem:s30+$0xFFFFFFF0] =	vst v4  }
0x7b: {  	v4 =	vld [tilespmem:s28+$0x0]  }
0x7c: {  	v5 =	vld [tilespmem:s29+$0x0];
	_ =	sdelay $0x3  }
0x7d: {  	v4 =	vpsel p1, $0x0, v4  }
0x7e: {  	v5 =	vmul.f32 v4, v5;
	_ =	sdelay $0x1  }
0x7f: {  	[tilespmem:s30+$0x0] =	vst v5  }
0x80: {  	v5 =	vld [tilespmem:s28+$0x10]  }
0x81: {  	v6 =	vld [tilespmem:s29+$0x10];
	_ =	sdelay $0x3  }
0x82: {  	v5 =	vpsel p1, $0x0, v5  }
0x83: {  	v6 =	vmul.f32 v5, v6;
	_ =	sdelay $0x1  }
0x84: {  	[tilespmem:s30+$0x10] =	vst v6  }
0x85: {  	v6 =	vld [tilespmem:s28+$0x20]  }
0x86: {  	v0 =	vnsel vm0, $0x0, v0;
	v7 =	vld [tilespmem:s29+$0x20]  }
0x87: {  	v0 =	vadd.f32 $0.0e+00, v0  }
0x88: {  	v1 =	vsel vm1, $0x0, v1  }
0x89: {  	v0 =	vadd.f32 v1, v0  }
0x8a: {  	v2 =	vsel vm2, $0x0, v2;
	v1 =	vpsel p1, $0x0, v6  }
0x8b: {  	v0 =	vadd.f32 v2, v0;
	v6 =	vmul.f32 v1, v7  }
0x8c: {  	v2 =	vsel vm3, $0x0, v3  }
0x8d: {  	v0 =	vadd.f32 v2, v0;
	[tilespmem:s30+$0x20] =	vst v6  }
0x8e: {  	v3 =	vsel vm4, $0x0, v4;
	v2 =	vld [tilespmem:s28+$0x30]  }
0x8f: {  	v0 =	vadd.f32 v3, v0;
	v63 =	vld [tilespmem:s29+$0x30]  }
0x90: {  	v3 =	vsel vm5, $0x0, v5  }
0x91: {  	v0 =	vadd.f32 v3, v0  }
0x92: {  	v1 =	vsel vm6, $0x0, v1  }
0x93: {  	v0 =	vadd.f32 v1, v0;
	v2 =	vpsel p1, $0x0, v2  }
0x94: {  	v1 =	vmul.f32 v2, v63;
	v2 =	vsel vm7, $0x0, v2  }
0x95: {  	v0 =	vadd.f32 v2, v0  }
0x96: {  	s31 =	simm.s32 $0x1;
	[tilespmem:s30+$0x30] =	vst v1  }
.LBB2_5:
0x97: {  	[tilespmem:s30+$0x40] =	vst v0;
	s30 =	sadd.s32 $0x90, s30;
	s29 =	sadd.s32 $0x80, s29;
	s28 =	sadd.s32 $0x80, s28  }
0x98: {  	p1 =	sne.s32 s31, $0x5F;
	s0 =	smov.u32 s31;
	s31 =	sadd.s32 $0x1, s31;
	v0 =	vld [tilespmem:s28+$0xFFFFFFC0]  }
0x99: {  	v1 =	vld [tilespmem:s29+$0xFFFFFFC0]  }
0x9a: {  	p2 =	slt.u32 s0, $0x50  }
0x9b: {  	p2 =	por !p0, !p2  }
0x9c: {  	p2 =	por !p2, !p2  }
0x9d: {  	v0 =	vpsel p2, $0x0, v0  }
0x9e: {  	v1 =	vmul.f32 v0, v1;
	v0 =	vnsel vm0, $0x0, v0;
	_ =	sdelay $0x1  }
0x9f: {  	[tilespmem:s30+$0xFFFFFFC0] =	vst v1  }
0xa0: {  	v1 =	vld [tilespmem:s28+$0xFFFFFFD0]  }
0xa1: {  	v2 =	vld [tilespmem:s29+$0xFFFFFFD0];
	_ =	sdelay $0x3  }
0xa2: {  	v1 =	vpsel p2, $0x0, v1  }
0xa3: {  	v2 =	vmul.f32 v1, v2;
	v1 =	vsel vm1, $0x0, v1;
	_ =	sdelay $0x1  }
0xa4: {  	[tilespmem:s30+$0xFFFFFFD0] =	vst v2  }
0xa5: {  	v2 =	vld [tilespmem:s28+$0xFFFFFFE0]  }
0xa6: {  	v3 =	vld [tilespmem:s29+$0xFFFFFFE0];
	_ =	sdelay $0x3  }
0xa7: {  	v2 =	vpsel p2, $0x0, v2  }
0xa8: {  	v3 =	vmul.f32 v2, v3;
	v2 =	vsel vm2, $0x0, v2;
	_ =	sdelay $0x1  }
0xa9: {  	[tilespmem:s30+$0xFFFFFFE0] =	vst v3  }
0xaa: {  	v3 =	vld [tilespmem:s28+$0xFFFFFFF0]  }
0xab: {  	v4 =	vld [tilespmem:s29+$0xFFFFFFF0];
	_ =	sdelay $0x3  }
0xac: {  	v3 =	vpsel p2, $0x0, v3  }
0xad: {  	v4 =	vmul.f32 v3, v4;
	v3 =	vsel vm3, $0x0, v3;
	_ =	sdelay $0x1  }
0xae: {  	[tilespmem:s30+$0xFFFFFFF0] =	vst v4  }
0xaf: {  	v4 =	vld [tilespmem:s28+$0x0]  }
0xb0: {  	v5 =	vld [tilespmem:s29+$0x0];
	_ =	sdelay $0x3  }
0xb1: {  	v4 =	vpsel p2, $0x0, v4  }
0xb2: {  	v5 =	vmul.f32 v4, v5;
	v4 =	vsel vm4, $0x0, v4;
	_ =	sdelay $0x1  }
0xb3: {  	[tilespmem:s30+$0x0] =	vst v5  }
0xb4: {  	v5 =	vld [tilespmem:s28+$0x10]  }
0xb5: {  	v6 =	vld [tilespmem:s29+$0x10];
	_ =	sdelay $0x3  }
0xb6: {  	v5 =	vpsel p2, $0x0, v5  }
0xb7: {  	v6 =	vmul.f32 v5, v6;
	v5 =	vsel vm5, $0x0, v5;
	_ =	sdelay $0x1  }
0xb8: {  	[tilespmem:s30+$0x10] =	vst v6  }
0xb9: {  	v6 =	vld [tilespmem:s28+$0x20]  }
0xba: {  	v7 =	vld [tilespmem:s29+$0x20]  }
0xbb: {  	v0 =	vadd.f32 $0.0e+00, v0;
	_ =	sdelay $0x1  }
0xbc: {  	v0 =	vadd.f32 v1, v0  }
0xbd: {  	v1 =	vpsel p2, $0x0, v6  }
0xbe: {  	v0 =	vadd.f32 v2, v0;
	v2 =	vmul.f32 v1, v7;
	v1 =	vsel vm6, $0x0, v1;
	_ =	sdelay $0x1  }
0xbf: {  	v0 =	vadd.f32 v3, v0;
	[tilespmem:s30+$0x20] =	vst v2  }
0xc0: {  	v2 =	vld [tilespmem:s28+$0x30]  }
0xc1: {  	v0 =	vadd.f32 v4, v0;
	v3 =	vld [tilespmem:s29+$0x30];
	_ =	sdelay $0x1  }
0xc2: {  	v0 =	vadd.f32 v5, v0  }
.Ltmp7:
0xc3: {  	(pc) =	sbr.rel @p1 .LBB2_5-.Ltmp7, $4  }
0xc4: {  	v0 =	vadd.f32 v1, v0;
	v1 =	vpsel p2, $0x0, v2  }
0xc5: {  	v2 =	vmul.f32 v1, v3;
	v1 =	vsel vm7, $0x0, v1  }
0xc6: {  	v0 =	vadd.f32 v1, v0  }
0xc7: {  	[tilespmem:s30+$0x30] =	vst v2  }
.Ltmp8:
0xc8: {  	_ = 	snop;
	(pc) =	sbr.rel .LBB2_6-.Ltmp8, $1  }
0xc9: {  	_ =	sdelay $0x3  }
.LBB2_10:
0xca: {  	_ =	sfence.sel $0x180000  }
0xcb: {  	[bflag:$0x0] =	sbarrier.arrive $0xFFFF  }
0xcc: {  	_ =	strace $0x9000004A  }
0xcd: {  	[bflag:$0x2] =	sbarrier.arrive $0xFFFF  }
0xce: {  	p0 =	sne.s32 s2, $0x0;
	s0 =	rddreg [dreg:$0x3]  }
0xcf: {  	s0 =	sadd.s32 @!p0 $0x100000, s0  }
0xd0: {  	[sflag:s0] =	ssyncadd.tile.s32 @!p0 $0x1;
	_ =	shalt  }
.Lfunc_end2:
_tile_overlayer_lowered:
.L_overlay_start_2:
0xd1: {  	(tag) =	ssettag $0x2  }
0xd2: {  	s0 =	rddreg [dreg:$0x0];
	s2 =	stileid.u32  }
0xd3: {  	s1 =	rddreg [dreg:$0x1];
	p0 =	sne.s32 s2, $0x0  }
0xd4: {  	s3 =	rddreg [dreg:$0x2];
	[bflag:$0x3] =	sbarrier.arrive $0xFFFF;
	s2 =	simm.s32 @!p0 $0x1C03  }
0xd5: {  	[timem:s3], [sflag:s2] =	dma.local @!p0 [hbm:s0], s1  }
0xd6: {  	s0 =	simm.s32 @!p0 $0x3  }
0xd7: {  	_ =	swait.ge @!p0 [sflag:s0], s1  }
0xd8: {  	s1 =	ssub.s32 @!p0 $0x0, s1;
	[sflag:s0] =	ssyncset.done @!p0 $0x0  }
0xd9: {  	[sflag:s0] =	ssyncadd.s32 @!p0 s1  }
0xda: {  	[bflag:$0x3] =	sbarrier.arrive $0xFFFF  }
0xdb: {  	_ =	shalt  }

// kernel: kernel.7.cloned.1.call-start
scs
__scs_entry_jumppad:
0x0: {  	(pc) =	sbr.rel $0x88, $3  }
0x1: {  	(tag) =	ssettag $0x0;
	lr =	simm.s32 $0x1  }
0x2: {  	[smem:$0x3F88] =	sst lr;
	_ =	strace $0xD0000000  }
0x3: {  	_ = 	snop  }
0x4: {  	_ = 	snop  }
0x5: {  	_ = 	snop  }
0x6: {  	_ = 	snop  }
0x7: {  	_ = 	snop  }
__scs_overlays_trampoline_lowered:
0x8: {  	[smem:$0x3F97] =	sst s0  }
0x9: {  	[smem:$0x3F98] =	sst s1  }
0xa: {  	[smem:$0x3F99] =	sst s2  }
0xb: {  	[smem:$0x3F9A] =	sst s3  }
0xc: {  	[smem:$0x3F9B] =	sst s4  }
0xd: {  	[smem:$0x3F9C] =	sst s5  }
0xe: {  	[smem:$0x3F9D] =	sst s6  }
0xf: {  	[smem:$0x3F9E] =	sst s7  }
0x10: {  	[smem:$0x3F9F] =	sst s8  }
0x11: {  	[smem:$0x3FA0] =	sst s9;
	s0 =	simm.s32 @!p0 $0x0  }
0x12: {  	s1 =	sld [smem:$0x3F86];
	s0 =	simm.s32 @p0 $0x1  }
0x13: {  	[smem:$0x3FA1] =	sst s0;
	s0 =	simm.s32 @!p1 $0x0  }
0x14: {  	s2 =	sld [smem:$0x3F85];
	s0 =	simm.s32 @p1 $0x1  }
0x15: {  	[smem:$0x3FA2] =	sst s0;
	s0 =	simm.s32 @!p2 $0x0  }
0x16: {  	s3 =	sld [smem:$0x3FDB];
	s0 =	simm.s32 @p2 $0x1  }
0x17: {  	s4 =	simm.s32 $0x1BF5;
	[smem:$0x3FA4] =	sst s0  }
0x18: {  	s0 =	sld [smem:$0x3F87];
	_ =	swait.ge [sflag:s4], $0x0  }
0x19: {  	s7 =	sld [smem:$0x3F88]  }
0x1a: {  	s8 =	sadd.s32 $0xFFFFE003, lr  }
0x1b: {  	s9 =	sadd.s32 $0xFFFFFEF7, lr;
	s5 =	simm.s32 $0xFFFFFFFF;
	p2 =	slt.u32 s8, $0xFFFFF086  }
0x1c: {  	p1 =	slt.u32 s9, $0xF7A;
	s5 =	simm.s32 @!p2 $0x0  }
0x1d: {  	s5 =	simm.s32 @p1 $0x1;
	p0 =	seq.s32 s7, s2  }
0x1e: {  	s7 =	smul.u32 @!p0 $0xF7A, s2;
	p2 =	seq.s32 @!p0 s5, $0x0  }
0x1f: {  	s9 =	smul.u32 $0xF7A, s1;
	s8 =	simm.s32 @!p0 $0x1BF5;
	p2 =	por !p2, p0  }
0x20: {  	[sflag:s8] =	ssyncset.s32 @!p0 $0xFFFFF086;
	s6 =	sadd.s32 @!p0 s3, s7;
	s7 =	simm.s32 @!p0 $0x108  }
0x21: {  	s3 =	sadd.s32 s3, s9;
	s6 =	sadd.s32 @!p0 $0x88, s6;
	s7 =	simm.s32 @p2 $0x1082  }
0x22: {  	[simem:s7], [sflag:s8] =	dma.local @!p0 [hbm:s6], $0xF7A  }
0x23: {  	s9 =	sor.u32 $0xD0000000, s2;
	s6 =	simm.s32 $0x108;
	_ =	swait.ge @!p0 [sflag:s8], $0x0  }
0x24: {  	s3 =	sadd.s32 $0x88, s3;
	s6 =	simm.s32 @!p1 $0x1082;
	[sflag:s4] =	ssyncset.s32 $0xFFFFF086  }
0x25: {  	[simem:s6], [sflag:s4] =	dma.local [hbm:s3], $0xF7A  }
0x26: {  	[smem:$0x3F88] =	sst s1;
	(tag) =	ssettag s2;
	_ =	strace s9  }
0x27: {  	s1 =	sld [smem:$0x3F98]  }
0x28: {  	s2 =	sld [smem:$0x3F99]  }
0x29: {  	s4 =	sld [smem:$0x3F9B]  }
0x2a: {  	p0 =	seq.s32 s5, $0x0;
	s5 =	sld [smem:$0x3F9C]  }
0x2b: {  	s6 =	sld [smem:$0x3F9D]  }
0x2c: {  	s7 =	sld [smem:$0x3F9E]  }
0x2d: {  	s3 =	simm.s32 $0x108;
	s8 =	sld [smem:$0x3F9F]  }
0x2e: {  	s3 =	simm.s32 @!p0 $0x1082;
	s9 =	sld [smem:$0x3FA0]  }
0x2f: {  	lr =	sadd.s32 s0, s3;
	s0 =	sld [smem:$0x3F97]  }
0x30: {  	s3 =	sld [smem:$0x3F9A]  }
0x31: {  	[smem:$0x3FA3] =	sst s10  }
0x32: {  	s10 =	sld [smem:$0x3FA1];
	_ =	sdelay $0x3  }
0x33: {  	p0 =	seq.s32 s10, $0x1;
	s10 =	sld [smem:$0x3FA3];
	_ =	sdelay $0x3  }
0x34: {  	[smem:$0x3FA3] =	sst s10  }
0x35: {  	s10 =	sld [smem:$0x3FA2];
	_ =	sdelay $0x3  }
0x36: {  	p1 =	seq.s32 s10, $0x1;
	s10 =	sld [smem:$0x3FA3];
	_ =	sdelay $0x3  }
0x37: {  	[smem:$0x3FA3] =	sst s10  }
0x38: {  	s10 =	sld [smem:$0x3FA4]  }
0x39: {  	_ = 	snop;
	(pc) =	sbr.ind lr, $3  }
0x3a: {  	_ = 	snop  }
0x3b: {  	_ = 	snop  }
0x3c: {  	p2 =	seq.s32 s10, $0x1;
	s10 =	sld [smem:$0x3FA3]  }
0x3d: {  	_ =	shalt  }
0x3e: {  	_ =	shalt  }
0x3f: {  	_ =	shalt  }
0x40: {  	_ =	shalt  }
0x41: {  	_ =	shalt  }
0x42: {  	_ =	shalt  }
0x43: {  	_ =	shalt  }
0x44: {  	_ =	shalt  }
0x45: {  	_ =	shalt  }
0x46: {  	_ =	shalt  }
0x47: {  	_ =	shalt  }
0x48: {  	_ =	shalt  }
0x49: {  	_ =	shalt  }
0x4a: {  	_ =	shalt  }
0x4b: {  	_ =	shalt  }
0x4c: {  	_ =	shalt  }
0x4d: {  	_ =	shalt  }
0x4e: {  	_ =	shalt  }
0x4f: {  	_ =	shalt  }
0x50: {  	_ =	shalt  }
0x51: {  	_ =	shalt  }
0x52: {  	_ =	shalt  }
0x53: {  	_ =	shalt  }
0x54: {  	_ =	shalt  }
0x55: {  	_ =	shalt  }
0x56: {  	_ =	shalt  }
0x57: {  	_ =	shalt  }
0x58: {  	_ =	shalt  }
0x59: {  	_ =	shalt  }
0x5a: {  	_ =	shalt  }
0x5b: {  	_ =	shalt  }
0x5c: {  	_ =	shalt  }
0x5d: {  	_ =	shalt  }
0x5e: {  	_ =	shalt  }
0x5f: {  	_ =	shalt  }
0x60: {  	_ =	shalt  }
0x61: {  	_ =	shalt  }
0x62: {  	_ =	shalt  }
0x63: {  	_ =	shalt  }
0x64: {  	_ =	shalt  }
0x65: {  	_ =	shalt  }
0x66: {  	_ =	shalt  }
0x67: {  	_ =	shalt  }
0x68: {  	_ =	shalt  }
0x69: {  	_ =	shalt  }
0x6a: {  	_ =	shalt  }
0x6b: {  	_ =	shalt  }
0x6c: {  	_ =	shalt  }
0x6d: {  	_ =	shalt  }
0x6e: {  	_ =	shalt  }
0x6f: {  	_ =	shalt  }
0x70: {  	_ =	shalt  }
0x71: {  	_ =	shalt  }
0x72: {  	_ =	shalt  }
0x73: {  	_ =	shalt  }
0x74: {  	_ =	shalt  }
0x75: {  	_ =	shalt  }
0x76: {  	_ =	shalt  }
0x77: {  	_ =	shalt  }
0x78: {  	_ =	shalt  }
0x79: {  	_ =	shalt  }
0x7a: {  	_ =	shalt  }
0x7b: {  	_ =	shalt  }
0x7c: {  	_ =	shalt  }
0x7d: {  	_ =	shalt  }
0x7e: {  	_ =	shalt  }
0x7f: {  	_ =	shalt  }
0x80: {  	_ =	shalt  }
0x81: {  	_ =	shalt  }
0x82: {  	_ =	shalt  }
0x83: {  	_ =	shalt  }
0x84: {  	_ =	shalt  }
0x85: {  	_ =	shalt  }
0x86: {  	_ =	shalt  }
0x87: {  	_ =	shalt  }
.Lfunc_end0:
.L_simem_size_0:
called_computation_lowered:
.L_overlay_start_0:
0x88: {  	s2 =	sld [smem:$0x3FD9]  }
0x89: {  	s3 =	sld [smem:$0x3FFE];
	_ =	sdelay $0x1  }
0x8a: {  	s1 =	srdreg.scid  }
0x8b: {  	s0 =	sand.u32 $0x1, s1  }
0x8c: {  	s16 =	sshll.u32 s0, $0xA;
	s2 =	sadd.s32 s3, s2  }
0x8d: {  	s2 =	sadd.s32 s2, s16  }
0x8e: {  	[smem:$0x3FAF] =	sst s2  }
0x8f: {  	_ = 	snop  }
0x90: {  	(tm) =	ssettm $0x1  }
0x91: {  	s17 =	sld [smem:$0x3FFB];
	_ =	sdelay $0x3  }
0x92: {  	_ =	strace s17  }
0x93: {  	s2 =	sld [smem:$0x3FFC];
	_ =	sdelay $0x3  }
0x94: {  	_ =	strace s2  }
0x95: {  	s2 =	sld [smem:$0x3FFD];
	_ =	sdelay $0x3  }
0x96: {  	_ =	strace s2  }
0x97: {  	_ =	strace $0x8FFFFFFF  }
0x98: {  	s18 =	sld [smem:$0x3FDB];
	_ =	sdelay $0x1  }
0x99: {  	s19 =	simm.s32 $_scs_section_size  }
0x9a: {  	s4 =	simm.s32 $_size__tile_overlayer_lowered;
	s5 =	simm.s32 $_tile_overlayer_lowered  }
0x9b: {  	s22 =	simm.s32 $0x1BFF;
	s21 =	sshll.u32 s5, $0x1;
	s2 =	sadd.s32 s19, s18  }
0x9c: {  	s6 =	simm.s32 $0x0;
	s20 =	sshll.u32 s4, $0x1;
	s4 =	sadd.s32 s21, s2  }
0x9d: {  	[timem:s6], [sflag:s22] =	dma.local [hbm:s4], s20  }
0x9e: {  	_ =	swait.ge [sflag:s22], s20  }
0x9f: {  	s3 =	ssub.s32 $0x0, s20;
	[sflag:s22] =	ssyncset.done $0x0  }
0xa0: {  	[sflag:s22] =	ssyncadd.s32 s3;
	_ =	sdelay $0x1  }
0xa1: {  	s23 =	simm.s32 $0x1B8B  }
0xa2: {  	_ =	swait.ge [sflag:s23], $0x1  }
0xa3: {  	[sflag:s23] =	ssyncset.done $0x0  }
0xa4: {  	s25 =	simm.s32 $0x1B8E;
	s24 =	sld [smem:$0x3FFE];
	[sflag:s23] =	ssyncadd.s32 $0xFFFFFFFF  }
0xa5: {  	s26 =	simm.s32 $execute0_lowered;
	[smem:$0x3FD2] =	sst s25  }
0xa6: {  	s4 =	sshll.u32 s26, $0x1;
	_ =	strace $0x80000046;
	[dreg:$0x1] =	wrdreg $0xFFFFFFFF  }
0xa7: {  	s28 =	simm.s32 $_size_execute0_lowered;
	s2 =	sadd.s32 s2, s4;
	[dreg:$0x0] =	wrdreg $0x0  }
0xa8: {  	s4 =	sshll.u32 s28, $0x1;
	[dreg:$0x2] =	wrdreg s2  }
0xa9: {  	[dreg:$0x3] =	wrdreg s4  }
0xaa: {  	[dreg:$0x4] =	wrdreg $0xC0  }
0xab: {  	_ =	task [dreg:s6], $0x5FFFF  }
0xac: {  	[dreg:$0x1] =	wrdreg $0xFFFFFFFF  }
0xad: {  	[dreg:$0x0] =	wrdreg $0x60  }
0xae: {  	[dreg:$0x2] =	wrdreg s24  }
0xaf: {  	[dreg:$0x3] =	wrdreg $0x9  }
0xb0: {  	_ =	task.clear_ibuf [dreg:s6], $0x4FFFF;
	_ =	strace $0x90000046  }
0xb1: {  	s29 =	simm.s32 $0x9;
	_ =	strace $0x80000048  }
0xb2: {  	_ =	swait.ge [sflag:s29], $0x1  }
0xb3: {  	[sflag:s29] =	ssyncadd.s32 $0xFFFFFFFF  }
0xb4: {  	_ =	strace $0x90000048  }
0xb5: {  	_ =	sfence  }
0xb6: {  	s30 =	sld [smem:$0x0];
	_ =	sdelay $0x2  }
0xb7: {  	s31 =	sshll.u32 s1, $0xD;
	s1 =	sshrl.u32 s1, $0x2  }
0xb8: {  	s3 =	sand.u32 $0x4000, s31;
	s1 =	sadd.s32 s1, s30  }
0xb9: {  	s0 =	sor.u32 s3, s0;
	s1 =	sshll.u32 s1, $0x11  }
0xba: {  	s0 =	sor.u32 s1, s0  }
0xbb: {  	s0 =	sadd.s32 $0x8F2B, s0  }
0xbc: {  	[sflag:s0] =	ssyncadd.remote.s32 $0x1  }
0xbd: {  	_ =	sfence.sel $0xFFFF  }
0xbe: {  	[dreg:$0x0] =	wrdreg $0xFFFFFFFF;
	(pc) =	sbr.abs _section_cstart, $3  }
0xbf: {  	[dreg:$0x1] =	wrdreg $0xFFFFFFFF  }
0xc0: {  	_ =	task.clear_ibuf [dreg:s6], $0x2FFFF;
	_ =	strace $0x9FFFFFFF  }
0xc1: {  	(tm) =	ssettm $0x7FFFFFFF  }
tec
execute0_lowered:
.L_overlay_start_1:
0x0: {  	(tag) =	ssettag $0x1  }
0x1: {  	s1 =	srdreg.scid  }
0x2: {  	s0 =	stileid.u32;
	s9 =	rddreg [dreg:$0x0];
	s2 =	simm.s32 $0x0  }
0x3: {  	s13 =	simm.s32 $0x2710;
	s14 =	simm.s32 $0x5;
	s15 =	simm.s32 $0x80  }
0x4: {  	s16 =	simm.s32 $0x4E20;
	s17 =	simm.s32 $0x4F20;
	s18 =	simm.s32 $0x4EA0  }
0x5: {  	s19 =	simm.s32 $0x8F20;
	s20 =	simm.s32 $0xCF20;
	s21 =	simm.s32 $0x10F20  }
0x6: {  	s22 =	simm.s32 $0x1;
	s23 =	simm.s32 $0x2;
	s24 =	simm.s32 $0x3  }
0x7: {  	s25 =	simm.s32 $0x4;
	s26 =	simm.s32 $0x0;
	s8 =	sand.u32 $0x1, s1  }
0x8: {  	s3 =	sshll.u32 s0, $0x1;
	[smem:$0x7FF] =	sst s2;
	s4 =	sadd.s32 $0x18000, s9  }
0x9: {  	s5 =	sadd.s32 $0x66400, s9;
	s7 =	sadd.s32 $0x56F600, s9;
	s3 =	sor.u32 s8, s3  }
0xa: {  	_ =	strace $0x80000047;
	s10 =	ssub.s32 $0x2, s8;
	s3 =	smul.u32 $0x2710, s3  }
0xb: {  	[dreg:$0x2] =	wrdreg s4;
	s4 =	sadd.s32 $0x3F200, s9;
	s12 =	sshrl.u32 s10, $0x1  }
0xc: {  	s8 =	sadd.s32 $0xA51600, s9;
	s12 =	ssub.s32 s10, s12;
	s6 =	sshrl.u32 s3, $0x3  }
0xd: {  	s12 =	smax.u32 s12, $0x1;
	s11 =	sadd.s32 s6, s9;
	s6 =	sadd.s32 $0x8D600, s9  }
0xe: {  	s9 =	sadd.s32 $0xF33600, s9;
	s10 =	sadd.s32 $0x4600, s11;
	s11 =	sadd.s32 $0xE240, s11  }
.LBB2_1:
0xf: {  	[tilespmem:s13], [sflag:$0x5] =	stream.linear.gather [hbm4b:s10+s2], $0x2710, $0x38;
	[tilespmem:$0x14F20] =	vst v63  }
0x10: {  	_ =	swait.ge [sflag:s14], $0x2710  }
0x11: {  	[sflag:s14] =	ssyncset.done $0x0  }
0x12: {  	[sflag:s14] =	ssyncadd.s32 $0xFFFFD8F0  }
0x13: {  	[tilespmem:s2], [sflag:$0x5] =	stream.linear.gather [hbm4b:s11+s2], $0x2710, $0x38;
	[tilespmem:$0x14F20] =	vst v63  }
0x14: {  	_ =	swait.ge [sflag:s14], $0x2710  }
0x15: {  	[sflag:s14] =	ssyncset.done $0x0  }
0x16: {  	s28 =	smin.u32 s2, $0x2690;
	[sflag:s14] =	ssyncadd.s32 $0xFFFFD8F0  }
0x17: {  	v0 =	vld [tilespmem:s28+$0x0];
	_ =	sdelay $0x4  }
0x18: {  	[tilespmem:$0x4E20] =	vst v0  }
0x19: {  	v0 =	vld [tilespmem:s28+$0x2710];
	_ =	sdelay $0x4  }
0x1a: {  	[tilespmem:$0x4EA0] =	vst v0  }
0x1b: {  	v0 =	vld [tilespmem:s28+$0x10];
	_ =	sdelay $0x4  }
0x1c: {  	[tilespmem:$0x4E30] =	vst v0  }
0x1d: {  	v0 =	vld [tilespmem:s28+$0x2720];
	_ =	sdelay $0x4  }
0x1e: {  	s29 =	sor.u32 $0x20, s28;
	[tilespmem:$0x4EB0] =	vst v0  }
0x1f: {  	v0 =	vld [tilespmem:s29+$0x0];
	_ =	sdelay $0x4  }
0x20: {  	[tilespmem:$0x4E40] =	vst v0  }
0x21: {  	v0 =	vld [tilespmem:s28+$0x2730];
	_ =	sdelay $0x4  }
0x22: {  	[tilespmem:$0x4EC0] =	vst v0  }
0x23: {  	v0 =	vld [tilespmem:s28+$0x30];
	_ =	sdelay $0x4  }
0x24: {  	[tilespmem:$0x4E50] =	vst v0  }
0x25: {  	v0 =	vld [tilespmem:s28+$0x2740];
	_ =	sdelay $0x4  }
0x26: {  	s1 =	sor.u32 $0x40, s28;
	[tilespmem:$0x4ED0] =	vst v0  }
0x27: {  	v0 =	vld [tilespmem:s1+$0x0];
	_ =	sdelay $0x4  }
0x28: {  	[tilespmem:$0x4E60] =	vst v0  }
0x29: {  	v0 =	vld [tilespmem:s28+$0x2750];
	_ =	sdelay $0x4  }
0x2a: {  	[tilespmem:$0x4EE0] =	vst v0  }
0x2b: {  	v0 =	vld [tilespmem:s28+$0x50];
	_ =	sdelay $0x4  }
0x2c: {  	[tilespmem:$0x4E70] =	vst v0  }
0x2d: {  	v0 =	vld [tilespmem:s28+$0x2760];
	_ =	sdelay $0x4  }
0x2e: {  	s31 =	sor.u32 $0x60, s28;
	[tilespmem:$0x4EF0] =	vst v0  }
0x2f: {  	v0 =	vld [tilespmem:s31+$0x0];
	_ =	sdelay $0x4  }
0x30: {  	[tilespmem:$0x4E80] =	vst v0  }
0x31: {  	v0 =	vld [tilespmem:s28+$0x2770];
	_ =	sdelay $0x4  }
0x32: {  	[tilespmem:$0x4F00] =	vst v0  }
0x33: {  	v0 =	vld [tilespmem:s28+$0x70];
	_ =	sdelay $0x4  }
0x34: {  	[tilespmem:$0x4E90] =	vst v0  }
0x35: {  	v0 =	vld [tilespmem:s28+$0x2780];
	_ =	sdelay $0x4  }
0x36: {  	s1 =	rddreg [dreg:$0x2];
	[tilespmem:$0x4F10] =	vst v0  }
0x37: {  	[tilespmem:s17], [sflag:$0x1] =	stream.indirect.gather [hbm4b:s1+s15], $0x80, s16, s15, $0xb8;
	[tilespmem:$0x14F20] =	vst v63  }
0x38: {  	_ = 	snop  }
0x39: {  	[tilespmem:s19], [sflag:$0x2] =	stream.indirect.gather [hbm4b:s4+s15], $0x80, s18, s15, $0xb8;
	[tilespmem:$0x14F20] =	vst v63  }
0x3a: {  	_ = 	snop  }
0x3b: {  	[tilespmem:s20], [sflag:$0x3] =	stream.indirect.gather [hbm4b:s5+s15], $0x80, s16, s15, $0xb8;
	[tilespmem:$0x14F20] =	vst v63  }
0x3c: {  	_ = 	snop  }
0x3d: {  	[tilespmem:s21], [sflag:$0x4] =	stream.indirect.gather [hbm4b:s5+s15], $0x80, s18, s15, $0xb8;
	[tilespmem:$0x14F20] =	vst v63  }
0x3e: {  	_ =	swait.ge [sflag:s22], $0x4000  }
0x3f: {  	[sflag:s22] =	ssyncset.done $0x0  }
0x40: {  	[sflag:s22] =	ssyncadd.s32 $0xFFFFC000  }
0x41: {  	_ =	swait.ge [sflag:s23], $0x4000  }
0x42: {  	[sflag:s23] =	ssyncset.done $0x0  }
0x43: {  	[sflag:s23] =	ssyncadd.s32 $0xFFFFC000  }
0x44: {  	_ =	swait.ge [sflag:s24], $0x4000  }
0x45: {  	[sflag:s24] =	ssyncset.done $0x0  }
0x46: {  	s28 =	sadd.s32 s3, s28;
	[sflag:s24] =	ssyncadd.s32 $0xFFFFC000  }
0x47: {  	s28 =	sshll.u32 s28, $0x4;
	_ =	swait.ge [sflag:s25], $0x4000  }
0x48: {  	s28 =	sand.u32 $0xFFFF00, s28;
	[sflag:s25] =	ssyncset.done $0x0  }
0x49: {  	s31 =	sadd.s32 s6, s28;
	[sflag:s25] =	ssyncadd.s32 $0xFFFFC000  }
0x4a: {  	[hbm4b:s31+s2] =	stream.linear.scatter [tilespmem:s17], [sflag:$0x1], $0x4000, $0x38;
	[tilespmem:$0x14F20] =	vst v63  }
0x4b: {  	s1 =	sadd.s32 s7, s28  }
0x4c: {  	[hbm4b:s1+s2] =	stream.linear.scatter [tilespmem:s19], [sflag:$0x2], $0x4000, $0x38;
	[tilespmem:$0x14F20] =	vst v63  }
0x4d: {  	s31 =	sadd.s32 s8, s28  }
0x4e: {  	[hbm4b:s31+s2] =	stream.linear.scatter [tilespmem:s20], [sflag:$0x3], $0x4000, $0x38;
	[tilespmem:$0x14F20] =	vst v63  }
0x4f: {  	s28 =	sadd.s32 s9, s28  }
0x50: {  	[hbm4b:s28+s2] =	stream.linear.scatter [tilespmem:s21], [sflag:$0x4], $0x4000, $0x38;
	[tilespmem:$0x14F20] =	vst v63  }
0x51: {  	_ =	swait.ge [sflag:s22], $0x4000  }
0x52: {  	[sflag:s22] =	ssyncset.done $0x0  }
0x53: {  	[sflag:s22] =	ssyncadd.s32 $0xFFFFC000  }
0x54: {  	_ =	swait.ge [sflag:s23], $0x4000  }
0x55: {  	[sflag:s23] =	ssyncset.done $0x0  }
0x56: {  	[sflag:s23] =	ssyncadd.s32 $0xFFFFC000  }
0x57: {  	_ =	swait.ge [sflag:s24], $0x4000  }
0x58: {  	[sflag:s24] =	ssyncset.done $0x0  }
0x59: {  	[sflag:s24] =	ssyncadd.s32 $0xFFFFC000  }
0x5a: {  	_ =	swait.ge [sflag:s25], $0x4000  }
0x5b: {  	s30 =	simm.s32 $0x100;
	s28 =	simm.s32 $0x80;
	[sflag:s25] =	ssyncset.done $0x0  }
.LBB2_2:
0x5c: {  	s31 =	smin.u32 s28, $0x2690;
	[sflag:s25] =	ssyncadd.s32 $0xFFFFC000  }
0x5d: {  	v0 =	vld [tilespmem:s31+$0x0];
	_ =	sdelay $0x4  }
0x5e: {  	[tilespmem:$0x4E20] =	vst v0  }
0x5f: {  	v0 =	vld [tilespmem:s31+$0x2710];
	_ =	sdelay $0x4  }
0x60: {  	[tilespmem:$0x4EA0] =	vst v0  }
0x61: {  	v0 =	vld [tilespmem:s31+$0x10];
	_ =	sdelay $0x4  }
0x62: {  	[tilespmem:$0x4E30] =	vst v0  }
0x63: {  	v0 =	vld [tilespmem:s31+$0x2720];
	_ =	sdelay $0x4  }
0x64: {  	s1 =	sor.u32 $0x20, s31;
	[tilespmem:$0x4EB0] =	vst v0  }
0x65: {  	v0 =	vld [tilespmem:s1+$0x0];
	_ =	sdelay $0x4  }
0x66: {  	[tilespmem:$0x4E40] =	vst v0  }
0x67: {  	v0 =	vld [tilespmem:s31+$0x2730];
	_ =	sdelay $0x4  }
0x68: {  	[tilespmem:$0x4EC0] =	vst v0  }
0x69: {  	v0 =	vld [tilespmem:s31+$0x30];
	_ =	sdelay $0x4  }
0x6a: {  	[tilespmem:$0x4E50] =	vst v0  }
0x6b: {  	v0 =	vld [tilespmem:s31+$0x2740];
	_ =	sdelay $0x4  }
0x6c: {  	s1 =	sor.u32 $0x40, s31;
	[tilespmem:$0x4ED0] =	vst v0  }
0x6d: {  	v0 =	vld [tilespmem:s1+$0x0];
	_ =	sdelay $0x4  }
0x6e: {  	[tilespmem:$0x4E60] =	vst v0  }
0x6f: {  	v0 =	vld [tilespmem:s31+$0x2750];
	_ =	sdelay $0x4  }
0x70: {  	[tilespmem:$0x4EE0] =	vst v0  }
0x71: {  	v0 =	vld [tilespmem:s31+$0x50];
	_ =	sdelay $0x4  }
0x72: {  	[tilespmem:$0x4E70] =	vst v0  }
0x73: {  	v0 =	vld [tilespmem:s31+$0x2760];
	_ =	sdelay $0x4  }
0x74: {  	s1 =	sor.u32 $0x60, s31;
	[tilespmem:$0x4EF0] =	vst v0  }
0x75: {  	v0 =	vld [tilespmem:s1+$0x0];
	_ =	sdelay $0x4  }
0x76: {  	[tilespmem:$0x4E80] =	vst v0  }
0x77: {  	v0 =	vld [tilespmem:s31+$0x2770];
	_ =	sdelay $0x4  }
0x78: {  	[tilespmem:$0x4F00] =	vst v0  }
0x79: {  	v0 =	vld [tilespmem:s31+$0x70];
	_ =	sdelay $0x4  }
0x7a: {  	[tilespmem:$0x4E90] =	vst v0  }
0x7b: {  	v0 =	vld [tilespmem:s31+$0x2780];
	_ =	sdelay $0x3  }
0x7c: {  	s28 =	smov.u32 s30;
	s29 =	sadd.s32 $0x80, s30  }
0x7d: {  	p0 =	sne.s32 s30, $0x2780;
	s30 =	sadd.s32 s3, s31;
	s31 =	rddreg [dreg:$0x2];
	[tilespmem:$0x4F10] =	vst v0  }
0x7e: {  	[tilespmem:s17], [sflag:$0x1] =	stream.indirect.gather [hbm4b:s31+s15], $0x80, s16, s15, $0xb8;
	[tilespmem:$0x14F20] =	vst v63  }
0x7f: {  	_ = 	snop  }
0x80: {  	[tilespmem:s19], [sflag:$0x2] =	stream.indirect.gather [hbm4b:s4+s15], $0x80, s18, s15, $0xb8;
	[tilespmem:$0x14F20] =	vst v63  }
0x81: {  	_ = 	snop  }
0x82: {  	[tilespmem:s20], [sflag:$0x3] =	stream.indirect.gather [hbm4b:s5+s15], $0x80, s16, s15, $0xb8;
	[tilespmem:$0x14F20] =	vst v63  }
0x83: {  	_ = 	snop  }
0x84: {  	[tilespmem:s21], [sflag:$0x4] =	stream.indirect.gather [hbm4b:s5+s15], $0x80, s18, s15, $0xb8;
	[tilespmem:$0x14F20] =	vst v63  }
0x85: {  	_ =	swait.ge [sflag:s22], $0x4000  }
0x86: {  	[sflag:s22] =	ssyncset.done $0x0  }
0x87: {  	[sflag:s22] =	ssyncadd.s32 $0xFFFFC000  }
0x88: {  	_ =	swait.ge [sflag:s23], $0x4000  }
0x89: {  	[sflag:s23] =	ssyncset.done $0x0  }
0x8a: {  	[sflag:s23] =	ssyncadd.s32 $0xFFFFC000  }
0x8b: {  	_ =	swait.ge [sflag:s24], $0x4000  }
0x8c: {  	[sflag:s24] =	ssyncset.done $0x0  }
0x8d: {  	[sflag:s24] =	ssyncadd.s32 $0xFFFFC000  }
0x8e: {  	s30 =	sshll.u32 s30, $0x4;
	_ =	swait.ge [sflag:s25], $0x4000  }
0x8f: {  	s30 =	sand.u32 $0xFFFF00, s30;
	[sflag:s25] =	ssyncset.done $0x0  }
0x90: {  	s31 =	sadd.s32 s6, s30;
	[sflag:s25] =	ssyncadd.s32 $0xFFFFC000  }
0x91: {  	[hbm4b:s31+s2] =	stream.linear.scatter [tilespmem:s17], [sflag:$0x1], $0x4000, $0x38;
	[tilespmem:$0x14F20] =	vst v63  }
0x92: {  	s31 =	sadd.s32 s7, s30  }
0x93: {  	[hbm4b:s31+s2] =	stream.linear.scatter [tilespmem:s19], [sflag:$0x2], $0x4000, $0x38;
	[tilespmem:$0x14F20] =	vst v63  }
0x94: {  	s31 =	sadd.s32 s8, s30  }
0x95: {  	[hbm4b:s31+s2] =	stream.linear.scatter [tilespmem:s20], [sflag:$0x3], $0x4000, $0x38;
	[tilespmem:$0x14F20] =	vst v63  }
0x96: {  	s31 =	sadd.s32 s9, s30  }
0x97: {  	[hbm4b:s31+s2] =	stream.linear.scatter [tilespmem:s21], [sflag:$0x4], $0x4000, $0x38;
	[tilespmem:$0x14F20] =	vst v63  }
0x98: {  	_ =	swait.ge [sflag:s22], $0x4000  }
0x99: {  	[sflag:s22] =	ssyncset.done $0x0  }
0x9a: {  	[sflag:s22] =	ssyncadd.s32 $0xFFFFC000  }
0x9b: {  	_ =	swait.ge [sflag:s23], $0x4000  }
0x9c: {  	[sflag:s23] =	ssyncset.done $0x0  }
0x9d: {  	[sflag:s23] =	ssyncadd.s32 $0xFFFFC000  }
.Ltmp0:
0x9e: {  	_ =	swait.ge [sflag:s24], $0x4000;
	(pc) =	sbr.rel @p0 .LBB2_2-.Ltmp0, $4  }
0x9f: {  	[sflag:s24] =	ssyncset.done $0x0  }
0xa0: {  	[sflag:s24] =	ssyncadd.s32 $0xFFFFC000  }
0xa1: {  	_ =	swait.ge [sflag:s25], $0x4000  }
0xa2: {  	s30 =	smov.u32 s29;
	[sflag:s25] =	ssyncset.done $0x0  }
0xa3: {  	s1 =	smin.u32 s28, $0x2690;
	[sflag:s25] =	ssyncadd.s32 $0xFFFFC000  }
0xa4: {  	v0 =	vld [tilespmem:s1+$0x0];
	_ =	sdelay $0x4  }
0xa5: {  	[tilespmem:$0x4E20] =	vst v0  }
0xa6: {  	v0 =	vld [tilespmem:s1+$0x2710];
	_ =	sdelay $0x4  }
0xa7: {  	[tilespmem:$0x4EA0] =	vst v0  }
0xa8: {  	v0 =	vld [tilespmem:s1+$0x10];
	_ =	sdelay $0x4  }
0xa9: {  	[tilespmem:$0x4E30] =	vst v0  }
0xaa: {  	v0 =	vld [tilespmem:s1+$0x2720];
	_ =	sdelay $0x4  }
0xab: {  	s28 =	sor.u32 $0x20, s1;
	[tilespmem:$0x4EB0] =	vst v0  }
0xac: {  	v0 =	vld [tilespmem:s28+$0x0];
	_ =	sdelay $0x4  }
0xad: {  	[tilespmem:$0x4E40] =	vst v0  }
0xae: {  	v0 =	vld [tilespmem:s1+$0x2730];
	_ =	sdelay $0x4  }
0xaf: {  	[tilespmem:$0x4EC0] =	vst v0  }
0xb0: {  	v0 =	vld [tilespmem:s1+$0x30];
	_ =	sdelay $0x4  }
0xb1: {  	[tilespmem:$0x4E50] =	vst v0  }
0xb2: {  	v0 =	vld [tilespmem:s1+$0x2740];
	_ =	sdelay $0x4  }
0xb3: {  	s29 =	sor.u32 $0x40, s1;
	[tilespmem:$0x4ED0] =	vst v0  }
0xb4: {  	v0 =	vld [tilespmem:s29+$0x0];
	_ =	sdelay $0x4  }
0xb5: {  	[tilespmem:$0x4E60] =	vst v0  }
0xb6: {  	v0 =	vld [tilespmem:s1+$0x2750];
	_ =	sdelay $0x4  }
0xb7: {  	[tilespmem:$0x4EE0] =	vst v0  }
0xb8: {  	v0 =	vld [tilespmem:s1+$0x50];
	_ =	sdelay $0x4  }
0xb9: {  	[tilespmem:$0x4E70] =	vst v0  }
0xba: {  	v0 =	vld [tilespmem:s1+$0x2760];
	_ =	sdelay $0x4  }
0xbb: {  	s30 =	sor.u32 $0x60, s1;
	[tilespmem:$0x4EF0] =	vst v0  }
0xbc: {  	v0 =	vld [tilespmem:s30+$0x0];
	_ =	sdelay $0x4  }
0xbd: {  	[tilespmem:$0x4E80] =	vst v0  }
0xbe: {  	v0 =	vld [tilespmem:s1+$0x2770];
	_ =	sdelay $0x4  }
0xbf: {  	[tilespmem:$0x4F00] =	vst v0  }
0xc0: {  	v0 =	vld [tilespmem:s1+$0x70];
	_ =	sdelay $0x4  }
0xc1: {  	[tilespmem:$0x4E90] =	vst v0  }
0xc2: {  	v0 =	vld [tilespmem:s1+$0x2780];
	_ =	sdelay $0x4  }
0xc3: {  	s31 =	rddreg [dreg:$0x2];
	[tilespmem:$0x4F10] =	vst v0  }
0xc4: {  	[tilespmem:s17], [sflag:$0x1] =	stream.indirect.gather [hbm4b:s31+s15], $0x80, s16, s15, $0xb8;
	[tilespmem:$0x14F20] =	vst v63  }
0xc5: {  	_ = 	snop  }
0xc6: {  	[tilespmem:s19], [sflag:$0x2] =	stream.indirect.gather [hbm4b:s4+s15], $0x80, s18, s15, $0xb8;
	[tilespmem:$0x14F20] =	vst v63  }
0xc7: {  	_ = 	snop  }
0xc8: {  	[tilespmem:s20], [sflag:$0x3] =	stream.indirect.gather [hbm4b:s5+s15], $0x80, s16, s15, $0xb8;
	[tilespmem:$0x14F20] =	vst v63  }
0xc9: {  	_ = 	snop  }
0xca: {  	[tilespmem:s21], [sflag:$0x4] =	stream.indirect.gather [hbm4b:s5+s15], $0x80, s18, s15, $0xb8;
	[tilespmem:$0x14F20] =	vst v63  }
0xcb: {  	_ =	swait.ge [sflag:s22], $0x4000  }
0xcc: {  	[sflag:s22] =	ssyncset.done $0x0  }
0xcd: {  	[sflag:s22] =	ssyncadd.s32 $0xFFFFC000  }
0xce: {  	_ =	swait.ge [sflag:s23], $0x4000  }
0xcf: {  	[sflag:s23] =	ssyncset.done $0x0  }
0xd0: {  	[sflag:s23] =	ssyncadd.s32 $0xFFFFC000  }
0xd1: {  	_ =	swait.ge [sflag:s24], $0x4000  }
0xd2: {  	[sflag:s24] =	ssyncset.done $0x0  }
0xd3: {  	s1 =	sadd.s32 s3, s1;
	[sflag:s24] =	ssyncadd.s32 $0xFFFFC000  }
0xd4: {  	s1 =	sshll.u32 s1, $0x4;
	_ =	swait.ge [sflag:s25], $0x4000  }
0xd5: {  	s1 =	sand.u32 $0xFFFF00, s1;
	[sflag:s25] =	ssyncset.done $0x0  }
0xd6: {  	s29 =	sadd.s32 s6, s1;
	[sflag:s25] =	ssyncadd.s32 $0xFFFFC000  }
0xd7: {  	[hbm4b:s29+s2] =	stream.linear.scatter [tilespmem:s17], [sflag:$0x1], $0x4000, $0x38;
	[tilespmem:$0x14F20] =	vst v63  }
0xd8: {  	s30 =	sadd.s32 s7, s1  }
0xd9: {  	[hbm4b:s30+s2] =	stream.linear.scatter [tilespmem:s19], [sflag:$0x2], $0x4000, $0x38;
	[tilespmem:$0x14F20] =	vst v63  }
0xda: {  	s31 =	sadd.s32 s8, s1  }
0xdb: {  	[hbm4b:s31+s2] =	stream.linear.scatter [tilespmem:s20], [sflag:$0x3], $0x4000, $0x38;
	[tilespmem:$0x14F20] =	vst v63  }
0xdc: {  	s1 =	sadd.s32 s9, s1  }
0xdd: {  	[hbm4b:s1+s2] =	stream.linear.scatter [tilespmem:s21], [sflag:$0x4], $0x4000, $0x38;
	[tilespmem:$0x14F20] =	vst v63  }
0xde: {  	_ =	swait.ge [sflag:s22], $0x4000  }
0xdf: {  	[sflag:s22] =	ssyncset.done $0x0  }
0xe0: {  	[sflag:s22] =	ssyncadd.s32 $0xFFFFC000  }
0xe1: {  	_ =	swait.ge [sflag:s23], $0x4000  }
0xe2: {  	[sflag:s23] =	ssyncset.done $0x0  }
0xe3: {  	s26 =	sadd.s32 $0x1, s26;
	[sflag:s23] =	ssyncadd.s32 $0xFFFFC000  }
0xe4: {  	p0 =	sne.s32 s26, s12;
	_ =	swait.ge [sflag:s24], $0x4000  }
.Ltmp1:
0xe5: {  	[sflag:s24] =	ssyncset.done $0x0;
	(pc) =	sbr.rel @p0 .LBB2_1-.Ltmp1, $4  }
0xe6: {  	[sflag:s24] =	ssyncadd.s32 $0xFFFFC000  }
0xe7: {  	_ =	swait.ge [sflag:s25], $0x4000  }
0xe8: {  	[sflag:s25] =	ssyncset.done $0x0  }
0xe9: {  	[sflag:s25] =	ssyncadd.s32 $0xFFFFC000  }
0xea: {  	_ =	sfence.sel $0x180000  }
0xeb: {  	[bflag:$0x0] =	sbarrier.arrive $0xFFFF  }
0xec: {  	_ =	strace $0x90000047  }
0xed: {  	[bflag:$0x2] =	sbarrier.arrive $0xFFFF  }
0xee: {  	p0 =	sne.s32 s0, $0x0;
	s0 =	rddreg [dreg:$0x1]  }
0xef: {  	s0 =	sadd.s32 @!p0 $0x100000, s0  }
0xf0: {  	[sflag:s0] =	ssyncadd.tile.s32 @!p0 $0x1;
	_ =	shalt  }
.Lfunc_end2:
_tile_overlayer_lowered:
.L_overlay_start_2:
0xf1: {  	(tag) =	ssettag $0x2  }
0xf2: {  	s0 =	rddreg [dreg:$0x0];
	s2 =	stileid.u32  }
0xf3: {  	s1 =	rddreg [dreg:$0x1];
	p0 =	sne.s32 s2, $0x0  }
0xf4: {  	s3 =	rddreg [dreg:$0x2];
	[bflag:$0x3] =	sbarrier.arrive $0xFFFF;
	s2 =	simm.s32 @!p0 $0x1C05  }
0xf5: {  	[timem:s3], [sflag:s2] =	dma.local @!p0 [hbm:s0], s1  }
0xf6: {  	s0 =	simm.s32 @!p0 $0x5  }
0xf7: {  	_ =	swait.ge @!p0 [sflag:s0], s1  }
0xf8: {  	s1 =	ssub.s32 @!p0 $0x0, s1;
	[sflag:s0] =	ssyncset.done @!p0 $0x0  }
0xf9: {  	[sflag:s0] =	ssyncadd.s32 @!p0 s1  }
0xfa: {  	[bflag:$0x3] =	sbarrier.arrive $0xFFFF  }
0xfb: {  	_ =	shalt  }

</sc_bundles>
